<compile_context>
chip_gen: v7x
topology: tpu7x:2x2x1
jax: 0.10.2.dev20260603
libtpu: 0.0.44.dev20260713+nightly
codegen_flags: <defaults>
</compile_context>

<pallas_src>
import dataclasses
import functools

import jax
import jax.numpy as jnp
import numpy as np
from jax import lax
from jax.experimental import pallas as pl
from jax.experimental.pallas import tpu as pltpu
from jax.experimental.pallas import tpu_sc as plsc

NCORES = 2
NSUB = 16
NTILES = NCORES * NSUB
CHUNK = 128


def _dense1_body(x_ref, w_ref, asrc_ref, adst_ref, mh_ref, ma_ref,
                 tab_ref, adt_ref):
    n = x_ref.shape[0]
    npad = adt_ref.shape[0] - n
    h = jnp.dot(x_ref[...], w_ref[...], preferred_element_type=jnp.float32)
    a_s = jnp.dot(h, asrc_ref[...], preferred_element_type=jnp.float32)
    a_d = jnp.dot(h, adst_ref[...], preferred_element_type=jnp.float32)
    tab = jnp.dot(h, mh_ref[...], preferred_element_type=jnp.float32) + \
        jnp.dot(a_s, ma_ref[...], preferred_element_type=jnp.float32)
    tab_ref[...] = tab.astype(jnp.bfloat16)
    adt_ref[:, 0:8] = jnp.concatenate(
        [a_d, jnp.zeros((npad, 8), jnp.float32)], axis=0)
    adt_ref[:, 8:16] = jnp.zeros_like(adt_ref[:, 8:16])


def _mid_body(part_ref, w2_ref, as2_ref, ad2_ref, b1_ref, rep_ref,
              mh_ref, ma_ref, tab2_ref, asf_ref, adf_ref):
    n = tab2_ref.shape[0]
    acc = part_ref[0, :, :] + part_ref[1, :, :]
    msg = acc[0:n, 0:64]
    den = acc[0:n, 64:72]
    den_e = jnp.dot(den, rep_ref[...], preferred_element_type=jnp.float32)
    h1 = msg / (den_e + 1e-16) + b1_ref[...]
    h1 = jnp.where(h1 >= 0.0, h1, 0.2 * h1)
    h2 = jnp.dot(h1, w2_ref[...], preferred_element_type=jnp.float32)
    a2s = jnp.dot(h2, as2_ref[...], preferred_element_type=jnp.float32)
    a2d = jnp.dot(h2, ad2_ref[...], preferred_element_type=jnp.float32)
    tab2 = jnp.dot(h2, mh_ref[...], preferred_element_type=jnp.float32) + \
        jnp.dot(a2s, ma_ref[...], preferred_element_type=jnp.float32)
    tab2_ref[...] = tab2.astype(jnp.bfloat16)
    npad = asf_ref.shape[0] - n
    zpad = jnp.zeros((npad, 1), jnp.float32)
    asf_ref[...] = jnp.concatenate([a2s, zpad], axis=0)
    adf_ref[...] = jnp.concatenate([a2d, zpad], axis=0)


def _final_body(part2_ref, b2_ref, out_ref):
    n, c = out_ref.shape
    acc = part2_ref[0, :, :] + part2_ref[1, :, :]
    z = acc[0:n, 0:c] / (acc[0:n, 40:41] + 1e-16) + b2_ref[...]
    m = jnp.max(z, axis=1, keepdims=True)
    z = z - m
    lse = jnp.log(jnp.sum(jnp.exp(z), axis=1, keepdims=True))
    out_ref[...] = z - lse


def _make_edge_pass(nacc, wtab, wb, ep, layer):
    per_tile = ep // NTILES
    n_chunks = per_tile // CHUNK
    rows_per_sub = nacc // NSUB
    zr = rows_per_sub // 8
    assert n_chunks % 2 == 0 and rows_per_sub % 8 == 0
    mesh = plsc.VectorSubcoreMesh(core_axis_name="c", subcore_axis_name="s",
                                  num_cores=NCORES, num_subcores=NSUB)
    cp = pltpu.CompilerParams()
    if "needs_layout_passes" in pltpu.CompilerParams.__dataclass_fields__:
        cp = dataclasses.replace(cp, needs_layout_passes=False)
    if "use_tc_tiling_on_sc" in pltpu.CompilerParams.__dataclass_fields__:
        cp = dataclasses.replace(cp, use_tc_tiling_on_sc=False)

    @functools.partial(
        pl.kernel,
        compiler_params=cp,
        out_type=jax.ShapeDtypeStruct((NCORES, nacc, wtab), jnp.float32),
        mesh=mesh,
        scratch_types=[
            pltpu.VMEM((n_chunks, CHUNK), jnp.int32),
            pltpu.VMEM((n_chunks, CHUNK), jnp.int32),
            pltpu.VMEM((CHUNK, wb), jnp.bfloat16),
            pltpu.VMEM((CHUNK, wb), jnp.bfloat16),
            pltpu.VMEM((CHUNK, 16), jnp.float32),
            pltpu.VMEM((CHUNK, 16), jnp.float32),
            pltpu.VMEM((CHUNK, wtab), jnp.float32),
            pltpu.VMEM((CHUNK, wtab), jnp.float32),
            pltpu.VMEM_SHARED((nacc, wtab), jnp.float32),
            pltpu.VMEM((nacc // NSUB // 8, wtab), jnp.float32),
            pltpu.SemaphoreType.DMA,
            pltpu.SemaphoreType.DMA,
            pltpu.SemaphoreType.DMA,
            pltpu.SemaphoreType.DMA,
            pltpu.SemaphoreType.DMA,
            pltpu.SemaphoreType.DMA,
        ],
    )
    def edge_kernel(tab_hbm, adt_hbm, src_hbm, dst_hbm, out_hbm,
                    src_all, dst_all, rows0, rows1, drows0, drows1,
                    orows0, orows1, acc_sh, zbuf,
                    semt0, semt1, semd0, semd1, sems0, sems1):
        cid = lax.axis_index("c")
        sid = lax.axis_index("s")
        rows = (rows0, rows1)
        drows = (drows0, drows1)
        orows = (orows0, orows1)
        semt = (semt0, semt1)
        semd = (semd0, semd1)
        sems = (sems0, sems1)
        z16 = jnp.zeros((16,), jnp.float32)

        @pl.loop(0, zr)
        def _(r):
            for j in range(wtab // 16):
                zbuf[r, pl.ds(16 * j, 16)] = z16

        base_r = sid * rows_per_sub

        @pl.loop(0, 8)
        def _(k):
            pltpu.sync_copy(zbuf, acc_sh.at[pl.ds(base_r + k * zr, zr), :])

        plsc.subcore_barrier()

        tile = cid * NSUB + sid
        io = lax.iota(jnp.int32, 16)

        pltpu.sync_copy(src_hbm.at[pl.ds(tile * n_chunks, n_chunks), :],
                        src_all)
        pltpu.sync_copy(dst_hbm.at[pl.ds(tile * n_chunks, n_chunks), :],
                        dst_all)

        def start_gathers(ch, par):
            pltpu.make_async_copy(
                tab_hbm.at[src_all.at[ch]], rows[par], semt[par]).start()
            pltpu.make_async_copy(
                adt_hbm.at[dst_all.at[ch]], drows[par], semd[par]).start()

        def wait_gathers(ch, par):
            pltpu.make_async_copy(
                tab_hbm.at[src_all.at[ch]], rows[par], semt[par]).wait()
            pltpu.make_async_copy(
                adt_hbm.at[dst_all.at[ch]], drows[par], semd[par]).wait()

        for par in range(2):
            start_gathers(par, par)

        @pl.loop(0, n_chunks, step=2)
        def _(ch0):
            for par in range(2):
                ch = ch0 + par
                wait_gathers(ch, par)
                @pl.when(ch0 >= 2)
                def _():
                    pltpu.make_async_copy(
                        orows[par], acc_sh.at[dst_all.at[ch - 2]],
                        sems[par]).wait()

                @pl.loop(0, CHUNK)
                def _(b):
                    a_d = drows[par][b, pl.ds(0, 16)]
                    bb = jnp.full((16,), b, jnp.int32)
                    if layer == 1:
                        a_s, _ = plsc.unpack(
                            rows[par][b, pl.ds(64, 32)],
                            format=plsc.PackFormat.INTERLEAVED)
                        e = a_s + a_d
                        e = jnp.where(e >= 0.0, e, 0.2 * e)
                        p = jnp.exp(e)
                        orows[par][b, pl.ds(64, 16)] = p
                        hi = jnp.where(io >= 8, 1, 0)
                        h01 = plsc.unpack(rows[par][b, pl.ds(0, 32)],
                                          format=plsc.PackFormat.INTERLEAVED)
                        h23 = plsc.unpack(rows[par][b, pl.ds(32, 32)],
                                          format=plsc.PackFormat.INTERLEAVED)
                        hs = (*h01, *h23)
                        for j in range(4):
                            pj = plsc.load_gather(
                                orows[par], [bb, hi + (64 + 2 * j)])
                            orows[par][b, pl.ds(16 * j, 16)] = pj * hs[j]
                    else:
                        v2, _ = plsc.unpack(
                            rows[par][b, pl.ds(32, 32)],
                            format=plsc.PackFormat.INTERLEAVED)
                        e = v2 + a_d
                        e = jnp.where(e >= 0.0, e, 0.2 * e)
                        p = jnp.exp(e)
                        orows[par][b, pl.ds(32, 16)] = p
                        pb = plsc.load_gather(orows[par], [bb, io * 0 + 40])
                        v0, v1 = plsc.unpack(
                            rows[par][b, pl.ds(0, 32)],
                            format=plsc.PackFormat.INTERLEAVED)
                        orows[par][b, pl.ds(0, 16)] = pb * v0
                        orows[par][b, pl.ds(16, 16)] = pb * v1
                        hm = jnp.where(io < 8, v2, 1.0)
                        orows[par][b, pl.ds(32, 16)] = pb * hm

                pltpu.make_async_copy(
                    orows[par], acc_sh.at[dst_all.at[ch]],
                    sems[par]).start(add=True)

                @pl.when(ch + 2 < n_chunks)
                def _():
                    start_gathers(ch + 2, par)

        for par in range(2):
            pltpu.make_async_copy(
                orows[par], acc_sh.at[dst_all.at[n_chunks - 2 + par]],
                sems[par]).wait()

        plsc.subcore_barrier()
        pltpu.sync_copy(acc_sh.at[pl.ds(base_r, rows_per_sub), :],
                        out_hbm.at[cid, pl.ds(base_r, rows_per_sub), :])

    return edge_kernel


def _make_edge_pass2(nacc, wtab, wb, ep):
    per_tile = ep // NTILES
    n_chunks = per_tile // CHUNK
    rows_per_sub = nacc // NSUB
    zr = rows_per_sub // 8
    assert n_chunks % 2 == 0 and rows_per_sub % 8 == 0
    mesh = plsc.VectorSubcoreMesh(core_axis_name="c", subcore_axis_name="s",
                                  num_cores=NCORES, num_subcores=NSUB)
    cp = pltpu.CompilerParams()
    if "needs_layout_passes" in pltpu.CompilerParams.__dataclass_fields__:
        cp = dataclasses.replace(cp, needs_layout_passes=False)
    if "use_tc_tiling_on_sc" in pltpu.CompilerParams.__dataclass_fields__:
        cp = dataclasses.replace(cp, use_tc_tiling_on_sc=False)

    @functools.partial(
        pl.kernel,
        compiler_params=cp,
        out_type=jax.ShapeDtypeStruct((NCORES, nacc, wtab), jnp.float32),
        mesh=mesh,
        scratch_types=[
            pltpu.VMEM((n_chunks, CHUNK), jnp.int32),
            pltpu.VMEM((n_chunks, CHUNK), jnp.int32),
            pltpu.VMEM((CHUNK, wb), jnp.bfloat16),
            pltpu.VMEM((CHUNK, wb), jnp.bfloat16),
            pltpu.VMEM((CHUNK, wtab), jnp.float32),
            pltpu.VMEM((CHUNK, wtab), jnp.float32),
            pltpu.VMEM((nacc // CHUNK, CHUNK), jnp.float32),
            pltpu.VMEM((nacc // CHUNK, CHUNK), jnp.float32),
            pltpu.VMEM((CHUNK,), jnp.float32),
            pltpu.VMEM_SHARED((nacc, wtab), jnp.float32),
            pltpu.VMEM((nacc // NSUB // 8, wtab), jnp.float32),
            pltpu.SemaphoreType.DMA,
            pltpu.SemaphoreType.DMA,
            pltpu.SemaphoreType.DMA,
            pltpu.SemaphoreType.DMA,
        ],
    )
    def edge_kernel(tab_hbm, asf_hbm, adf_hbm, src_hbm, dst_hbm, out_hbm,
                    src_all, dst_all, rows0, rows1, orows0, orows1,
                    asf_v, adf_v, pbuf, acc_sh, zbuf,
                    semt0, semt1, sems0, sems1):
        cid = lax.axis_index("c")
        sid = lax.axis_index("s")
        rows = (rows0, rows1)
        orows = (orows0, orows1)
        semt = (semt0, semt1)
        sems = (sems0, sems1)
        z16 = jnp.zeros((16,), jnp.float32)

        @pl.loop(0, zr)
        def _(r):
            for j in range(wtab // 16):
                zbuf[r, pl.ds(16 * j, 16)] = z16

        base_r = sid * rows_per_sub

        @pl.loop(0, 8)
        def _(k):
            pltpu.sync_copy(zbuf, acc_sh.at[pl.ds(base_r + k * zr, zr), :])

        pltpu.sync_copy(asf_hbm, asf_v)
        pltpu.sync_copy(adf_hbm, adf_v)
        plsc.subcore_barrier()

        tile = cid * NSUB + sid
        io = lax.iota(jnp.int32, 16)
        zi = io * 0

        pltpu.sync_copy(src_hbm.at[pl.ds(tile * n_chunks, n_chunks), :],
                        src_all)
        pltpu.sync_copy(dst_hbm.at[pl.ds(tile * n_chunks, n_chunks), :],
                        dst_all)

        def start_gathers(ch, par):
            pltpu.make_async_copy(
                tab_hbm.at[src_all.at[ch]], rows[par], semt[par]).start()

        for par in range(2):
            start_gathers(par, par)

        @pl.loop(0, n_chunks, step=2)
        def _(ch0):
            for par in range(2):
                ch = ch0 + par
                pltpu.make_async_copy(
                    tab_hbm.at[src_all.at[ch]], rows[par], semt[par]).wait()

                @pl.when(ch0 >= 2)
                def _():
                    pltpu.make_async_copy(
                        orows[par], acc_sh.at[dst_all.at[ch - 2]],
                        sems[par]).wait()

                @pl.loop(0, CHUNK // 16)
                def _(g):
                    svec = src_all[ch, pl.ds(16 * g, 16)]
                    dvec = dst_all[ch, pl.ds(16 * g, 16)]
                    a_s = plsc.load_gather(asf_v, [svec >> 7, svec & 127])
                    a_d = plsc.load_gather(adf_v, [dvec >> 7, dvec & 127])
                    e = a_s + a_d
                    e = jnp.where(e >= 0.0, e, 0.2 * e)
                    pbuf[pl.ds(16 * g, 16)] = jnp.exp(e)

                @pl.loop(0, CHUNK)
                def _(b):
                    bb = jnp.full((16,), b, jnp.int32)
                    pb = plsc.load_gather(pbuf, [bb])
                    v0, v1 = plsc.unpack(
                        rows[par][b, pl.ds(0, 32)],
                        format=plsc.PackFormat.INTERLEAVED)
                    v2, _ = plsc.unpack(
                        rows[par][b, pl.ds(32, 32)],
                        format=plsc.PackFormat.INTERLEAVED)
                    orows[par][b, pl.ds(0, 16)] = pb * v0
                    orows[par][b, pl.ds(16, 16)] = pb * v1
                    hm = jnp.where(io < 8, v2, 1.0)
                    orows[par][b, pl.ds(32, 16)] = pb * hm

                pltpu.make_async_copy(
                    orows[par], acc_sh.at[dst_all.at[ch]],
                    sems[par]).start(add=True)

                @pl.when(ch + 2 < n_chunks)
                def _():
                    start_gathers(ch + 2, par)

        for par in range(2):
            pltpu.make_async_copy(
                orows[par], acc_sh.at[dst_all.at[n_chunks - 2 + par]],
                sems[par]).wait()

        plsc.subcore_barrier()
        pltpu.sync_copy(acc_sh.at[pl.ds(base_r, rows_per_sub), :],
                        out_hbm.at[cid, pl.ds(base_r, rows_per_sub), :])

    return edge_kernel


def kernel(x, edge_index, W1, att_src1, att_dst1, b1, W2, att_src2, att_dst2,
           b2):
    n, f_in = x.shape
    heads, f_hid = att_src1.shape
    hid = heads * f_hid
    c = att_src2.shape[1]
    e = edge_index.shape[1]

    nacc = ((n + 1 + NSUB * 8 - 1) // (NSUB * 8)) * (NSUB * 8)
    grain = NTILES * CHUNK * 2
    ep = ((e + grain - 1) // grain) * grain

    rows = jnp.arange(hid)
    cols = jnp.repeat(jnp.arange(heads), f_hid)
    asrc_m = jnp.zeros((hid, heads), jnp.float32).at[rows, cols].set(
        att_src1.reshape(-1))
    adst_m = jnp.zeros((hid, heads), jnp.float32).at[rows, cols].set(
        att_dst1.reshape(-1))
    rep_m = jnp.zeros((heads, hid), jnp.float32).at[cols, rows].set(1.0)

    def _ileave(n_in, n_out, pairs):
        m = np.zeros((n_in, n_out), np.float32)
        for src_col, dst_col in pairs:
            m[src_col, dst_col] = 1.0
        return jnp.asarray(m)

    mh1 = _ileave(hid, 96, [(32 * blk + half * 16 + i, 32 * blk + 2 * i + half)
                            for blk in range(2) for half in range(2)
                            for i in range(16)])
    ma1 = _ileave(heads, 96, [(i, 64 + 2 * i) for i in range(heads)])
    mh2 = _ileave(c, 64, [(half * 16 + i, 2 * i + half)
                          for half in range(2) for i in range(16)] +
                  [(32 + i, 32 + 2 * i) for i in range(8)])
    ma2 = _ileave(1, 64, [(0, 32 + 16)])
    pad = ep - e
    src_p = jnp.concatenate(
        [edge_index[0], jnp.zeros((pad,), jnp.int32)]).reshape(-1, CHUNK)
    dst_p = jnp.concatenate(
        [edge_index[1], jnp.full((pad,), n, jnp.int32)]).reshape(-1, CHUNK)

    tab1, adt1 = pl.pallas_call(
        _dense1_body,
        out_shape=[jax.ShapeDtypeStruct((n, 96), jnp.bfloat16),
                   jax.ShapeDtypeStruct((nacc, 16), jnp.float32)],
    )(x, W1, asrc_m, adst_m, mh1, ma1)

    part1 = _make_edge_pass(nacc, 80, 96, ep, 1)(tab1, adt1, src_p, dst_p)

    tab2, asf, adf = pl.pallas_call(
        _mid_body,
        out_shape=[jax.ShapeDtypeStruct((n, 64), jnp.bfloat16),
                   jax.ShapeDtypeStruct((nacc, 1), jnp.float32),
                   jax.ShapeDtypeStruct((nacc, 1), jnp.float32)],
    )(part1, W2, att_src2.reshape(c, 1), att_dst2.reshape(c, 1),
      b1.reshape(1, hid), rep_m, mh2, ma2)

    part2 = _make_edge_pass2(nacc, 48, 64, ep)(
        tab2, asf.reshape(nacc // CHUNK, CHUNK),
        adf.reshape(nacc // CHUNK, CHUNK), src_p, dst_p)

    out = pl.pallas_call(
        _final_body,
        out_shape=jax.ShapeDtypeStruct((n, c), jnp.float32),
    )(part2, b2.reshape(1, c))
    return out

# --- scband reference (transcript-rebuilt; emitter-appended) ---
"""Pipeline reference for scband-net-conv-23356032155769 (READ-ONLY COPY).

The authoritative reference and input builder live on the scoring server;
editing this copy changes nothing except your own understanding.
"""

import jax, jax.numpy as jnp
import numpy as np

N = 10000
E = 320000
F_IN = 128
HEADS1 = 8
F_HID = 8
C = 40


def setup_inputs(seed: int = 0) -> dict:
    key = jax.random.key(seed)
    ks = jax.random.split(key, 12)
    x = jax.random.normal(ks[0], (N, F_IN), dtype=jnp.float32)
    edge_index = jax.random.randint(ks[1], (2, E), 0, N, dtype=jnp.int32)
    W1 = jax.random.normal(ks[2], (F_IN, HEADS1 * F_HID), dtype=jnp.float32) * (1.0 / np.sqrt(F_IN))
    att_src1 = jax.random.normal(ks[3], (HEADS1, F_HID), dtype=jnp.float32) * 0.1
    att_dst1 = jax.random.normal(ks[4], (HEADS1, F_HID), dtype=jnp.float32) * 0.1
    b1 = jnp.zeros((HEADS1 * F_HID,), dtype=jnp.float32)
    W2 = jax.random.normal(ks[5], (HEADS1 * F_HID, 1 * C), dtype=jnp.float32) * (1.0 / np.sqrt(HEADS1 * F_HID))
    att_src2 = jax.random.normal(ks[6], (1, C), dtype=jnp.float32) * 0.1
    att_dst2 = jax.random.normal(ks[7], (1, C), dtype=jnp.float32) * 0.1
    b2 = jnp.zeros((C,), dtype=jnp.float32)
    return {"x": x, "edge_index": edge_index, "W1": W1, "att_src1": att_src1,
            "att_dst1": att_dst1, "b1": b1, "W2": W2, "att_src2": att_src2,
            "att_dst2": att_dst2, "b2": b2}


def _gat_conv(x, edge_index, W, att_src, att_dst, bias, heads, out_ch, concat):
    n = x.shape[0]
    h = (x @ W).reshape(n, heads, out_ch)
    src = edge_index[0]
    dst = edge_index[1]
    a_src = jnp.sum(h * att_src[None, :, :], axis=-1)  # [N, heads]
    a_dst = jnp.sum(h * att_dst[None, :, :], axis=-1)  # [N, heads]
    e = a_src[src] + a_dst[dst]                         # [E, heads]
    e = jax.nn.leaky_relu(e, 0.2)
    # segment softmax over edges grouped by destination node
    e_max = jax.ops.segment_max(e, dst, num_segments=n)
    e_max = jnp.where(jnp.isfinite(e_max), e_max, 0.0)
    e_exp = jnp.exp(e - e_max[dst])
    denom = jax.ops.segment_sum(e_exp, dst, num_segments=n)
    alpha = e_exp / (denom[dst] + 1e-16)                # [E, heads]
    msg = h[src] * alpha[:, :, None]                    # [E, heads, out_ch]
    out = jax.ops.segment_sum(msg, dst, num_segments=n) # [N, heads, out_ch]
    if concat:
        out = out.reshape(n, heads * out_ch)
    else:
        out = jnp.mean(out, axis=1)
    return out + bias


def reference(x, edge_index, W1, att_src1, att_dst1, b1, W2, att_src2, att_dst2, b2):
    # dropout is inference-disabled (eval mode), kept deterministic here
    h = _gat_conv(x, edge_index, W1, att_src1, att_dst1, b1, HEADS1, F_HID, True)
    h = jax.nn.leaky_relu(h, 0.2)
    h = _gat_conv(h, edge_index, W2, att_src2, att_dst2, b2, 1, C, True)
    return jax.nn.log_softmax(h, axis=1)

if __name__ == "__main__":
    import jax
    _d = setup_inputs()
    print(jax.jit(kernel)(*tuple(_d.values())))

</pallas_src>

<mosaic_0001>
#map = affine_map<(d0, d1) -> (0, 0)>
#map1 = affine_map<(d0, d1) -> (0, 0, 0)>
module attributes {stable_mosaic.version = 14 : i64} {
  func.func @edge_kernel(%arg0: i32, %arg1: i32, %arg2: memref<10000x64xbf16, #tpu.memory_space<hbm>>, %arg3: memref<79x128xf32, #tpu.memory_space<hbm>>, %arg4: memref<79x128xf32, #tpu.memory_space<hbm>>, %arg5: memref<2560x128xi32, #tpu.memory_space<hbm>>, %arg6: memref<2560x128xi32, #tpu.memory_space<hbm>>, %arg7: memref<2x10112x48xf32, #tpu.memory_space<hbm>>, %arg8: memref<80x128xi32, #tpu.memory_space<vmem>>, %arg9: memref<80x128xi32, #tpu.memory_space<vmem>>, %arg10: memref<128x64xbf16, #tpu.memory_space<vmem>>, %arg11: memref<128x64xbf16, #tpu.memory_space<vmem>>, %arg12: memref<128x48xf32, #tpu.memory_space<vmem>>, %arg13: memref<128x48xf32, #tpu.memory_space<vmem>>, %arg14: memref<79x128xf32, #tpu.memory_space<vmem>>, %arg15: memref<79x128xf32, #tpu.memory_space<vmem>>, %arg16: memref<128xf32, #tpu.memory_space<vmem>>, %arg17: memref<10112x48xf32, #tpu.memory_space<vmem_shared>>, %arg18: memref<79x48xf32, #tpu.memory_space<vmem>>, %arg19: memref<!tpu.dma_semaphore, #tpu.memory_space<semaphore_mem>>, %arg20: memref<!tpu.dma_semaphore, #tpu.memory_space<semaphore_mem>>, %arg21: memref<!tpu.dma_semaphore, #tpu.memory_space<semaphore_mem>>, %arg22: memref<!tpu.dma_semaphore, #tpu.memory_space<semaphore_mem>>) attributes {dimension_semantics = [#tpu.dimension_semantics<core_parallel>, #tpu.dimension_semantics<subcore_parallel>], iteration_bounds = array<i64: 2, 16>, scalar_prefetch = 0 : i64, scratch_operands = 15 : i64, tpu.core_type = #tpu.core_type<sc_vector_subcore>, window_params = [{transform_indices = #map}, {transform_indices = #map}, {transform_indices = #map}, {transform_indices = #map}, {transform_indices = #map}, {transform_indices = #map1}]} {
    %broadcast_in_dim3A = arith.constant 0.000000e+00 : f32
    %broadcast_in_dim3A_0 = vector.broadcast %broadcast_in_dim3A : f32 to vector<16xf32>
    %scan3A = arith.constant 0 : i32
    %scan3A_1 = arith.constant 79 : i32
    %scan3A_2 = arith.addi %scan3A, %scan3A_1 : i32
    %scan3A_3 = arith.constant 1 : i32
    scf.for %scan3A_52 = %scan3A to %scan3A_2 step %scan3A_3  : i32 {
      %mul3A_53 = arith.constant 1 : i32
      %mul3A_54 = arith.muli %scan3A_52, %mul3A_53 : i32
      %add3A_55 = arith.constant 0 : i32
      %add3A_56 = arith.addi %add3A_55, %mul3A_54 : i32
      %swap3A = arith.index_cast %add3A_56 : i32 to index
      %swap3A_57 = arith.constant 0 : index
      %swap3A_58 = tpu.vector_load %arg18[%swap3A, %swap3A_57] {strides = array<i32>} : memref<79x48xf32, #tpu.memory_space<vmem>>, vector<16xf32>,
      tpu.vector_store %arg18[%swap3A, %swap3A_57], %broadcast_in_dim3A_0 {strides = array<i32>} : memref<79x48xf32, #tpu.memory_space<vmem>>, vector<16xf32>,
      %swap3A_59 = arith.index_cast %add3A_56 : i32 to index
      %swap3A_60 = arith.constant 16 : index
      %swap3A_61 = tpu.vector_load %arg18[%swap3A_59, %swap3A_60] {strides = array<i32>} : memref<79x48xf32, #tpu.memory_space<vmem>>, vector<16xf32>,
      tpu.vector_store %arg18[%swap3A_59, %swap3A_60], %broadcast_in_dim3A_0 {strides = array<i32>} : memref<79x48xf32, #tpu.memory_space<vmem>>, vector<16xf32>,
      %swap3A_62 = arith.index_cast %add3A_56 : i32 to index
      %swap3A_63 = arith.constant 32 : index
      %swap3A_64 = tpu.vector_load %arg18[%swap3A_62, %swap3A_63] {strides = array<i32>} : memref<79x48xf32, #tpu.memory_space<vmem>>, vector<16xf32>,
      tpu.vector_store %arg18[%swap3A_62, %swap3A_63], %broadcast_in_dim3A_0 {strides = array<i32>} : memref<79x48xf32, #tpu.memory_space<vmem>>, vector<16xf32>,
    }
    %scan3A_4 = arith.constant 79 : i32
    %mul3A = arith.constant 632 : i32
    %mul3A_5 = arith.muli %arg1, %mul3A : i32
    %scan3A_6 = arith.constant 0 : i32
    %scan3A_7 = arith.constant 8 : i32
    %scan3A_8 = arith.addi %scan3A_6, %scan3A_7 : i32
    %scan3A_9 = arith.constant 1 : i32
    scf.for %scan3A_52 = %scan3A_6 to %scan3A_8 step %scan3A_9  : i32 {
      %mul3A_53 = arith.constant 1 : i32
      %mul3A_54 = arith.muli %scan3A_52, %mul3A_53 : i32
      %add3A_55 = arith.constant 0 : i32
      %add3A_56 = arith.addi %add3A_55, %mul3A_54 : i32
      %mul3A_57 = arith.constant 79 : i32
      %mul3A_58 = arith.muli %add3A_56, %mul3A_57 : i32
      %add3A_59 = arith.addi %mul3A_5, %mul3A_58 : i32
      "tpu.region"() ({
        %run_scoped3A = tpu.sem_alloc : memref<!tpu.dma_semaphore, #tpu.memory_space<semaphore_mem>>
        %dma_start3A_60 = arith.constant 0 : i32
        %dma_start3A_61 = tpu.memref_slice %arg17[%add3A_59, %dma_start3A_60] : memref<10112x48xf32, #tpu.memory_space<vmem_shared>> -> memref<79x48xf32, #tpu.memory_space<vmem_shared>>
        %dma_start3A_62 = arith.constant 0 : i32
        %dma_start3A_63 = tpu.memref_slice %arg17[%add3A_59, %dma_start3A_62] : memref<10112x48xf32, #tpu.memory_space<vmem_shared>> -> memref<79x48xf32, #tpu.memory_space<vmem_shared>>
        tpu.enqueue_dma source(%arg18 : memref<79x48xf32, #tpu.memory_space<vmem>>) target(%dma_start3A_63 : memref<79x48xf32, #tpu.memory_space<vmem_shared>>) target_semaphore(%run_scoped3A : memref<!tpu.dma_semaphore, #tpu.memory_space<semaphore_mem>>)
        %dma_wait3A_64 = arith.constant 0 : i32
        %dma_wait3A_65 = tpu.memref_slice %arg17[%add3A_59, %dma_wait3A_64] : memref<10112x48xf32, #tpu.memory_space<vmem_shared>> -> memref<79x48xf32, #tpu.memory_space<vmem_shared>>
        %dma_wait3A_66 = arith.constant 0 : i32
        %dma_wait3A_67 = tpu.memref_slice %arg17[%add3A_59, %dma_wait3A_66] : memref<10112x48xf32, #tpu.memory_space<vmem_shared>> -> memref<79x48xf32, #tpu.memory_space<vmem_shared>>
        tpu.wait_dma2 semaphore(%run_scoped3A : memref<!tpu.dma_semaphore, #tpu.memory_space<semaphore_mem>>) src(%arg18 : memref<79x48xf32, #tpu.memory_space<vmem>>) dst(%dma_wait3A_67 : memref<79x48xf32, #tpu.memory_space<vmem_shared>>)
        tpu.yield
      }) : () -> ()
    }
    %scan3A_10 = arith.constant 8 : i32
    "tpu.region"() ({
      %run_scoped3A = tpu.sem_alloc : memref<!tpu.dma_semaphore, #tpu.memory_space<semaphore_mem>>
      tpu.enqueue_dma source(%arg3 : memref<79x128xf32, #tpu.memory_space<hbm>>) target(%arg14 : memref<79x128xf32, #tpu.memory_space<vmem>>) target_semaphore(%run_scoped3A : memref<!tpu.dma_semaphore, #tpu.memory_space<semaphore_mem>>)
      tpu.wait_dma2 semaphore(%run_scoped3A : memref<!tpu.dma_semaphore, #tpu.memory_space<semaphore_mem>>) src(%arg3 : memref<79x128xf32, #tpu.memory_space<hbm>>) dst(%arg14 : memref<79x128xf32, #tpu.memory_space<vmem>>)
      tpu.yield
    }) : () -> ()
    "tpu.region"() ({
      %run_scoped3A = tpu.sem_alloc : memref<!tpu.dma_semaphore, #tpu.memory_space<semaphore_mem>>
      tpu.enqueue_dma source(%arg4 : memref<79x128xf32, #tpu.memory_space<hbm>>) target(%arg15 : memref<79x128xf32, #tpu.memory_space<vmem>>) target_semaphore(%run_scoped3A : memref<!tpu.dma_semaphore, #tpu.memory_space<semaphore_mem>>)
      tpu.wait_dma2 semaphore(%run_scoped3A : memref<!tpu.dma_semaphore, #tpu.memory_space<semaphore_mem>>) src(%arg4 : memref<79x128xf32, #tpu.memory_space<hbm>>) dst(%arg15 : memref<79x128xf32, #tpu.memory_space<vmem>>)
      tpu.yield
    }) : () -> ()
    %barrier3A = arith.constant 0 : index
    tpu.barrier barrier_id(%barrier3A)
    %mul3A_11 = arith.constant 16 : i32
    %mul3A_12 = arith.muli %arg0, %mul3A_11 : i32
    %add3A = arith.addi %mul3A_12, %arg1 : i32
    %iota3A = tpu.iota {dimensions = array<i32: 0>} : vector<16xi32>
    %mul3A_13 = arith.constant 0 : i32
    %mul3A_14 = vector.broadcast %mul3A_13 : i32 to vector<16xi32>
    %mul3A_15 = arith.muli %iota3A, %mul3A_14 : vector<16xi32>
    %mul3A_16 = arith.constant 80 : i32
    %mul3A_17 = arith.muli %add3A, %mul3A_16 : i32
    "tpu.region"() ({
      %run_scoped3A = tpu.sem_alloc : memref<!tpu.dma_semaphore, #tpu.memory_space<semaphore_mem>>
      %dma_start3A_52 = arith.constant 0 : i32
      %dma_start3A_53 = tpu.memref_slice %arg5[%mul3A_17, %dma_start3A_52] : memref<2560x128xi32, #tpu.memory_space<hbm>> -> memref<80x128xi32, #tpu.memory_space<hbm>>
      %dma_start3A_54 = arith.constant 0 : i32
      %dma_start3A_55 = tpu.memref_slice %arg5[%mul3A_17, %dma_start3A_54] : memref<2560x128xi32, #tpu.memory_space<hbm>> -> memref<80x128xi32, #tpu.memory_space<hbm>>
      tpu.enqueue_dma source(%dma_start3A_55 : memref<80x128xi32, #tpu.memory_space<hbm>>) target(%arg8 : memref<80x128xi32, #tpu.memory_space<vmem>>) target_semaphore(%run_scoped3A : memref<!tpu.dma_semaphore, #tpu.memory_space<semaphore_mem>>)
      %dma_wait3A_56 = arith.constant 0 : i32
      %dma_wait3A_57 = tpu.memref_slice %arg5[%mul3A_17, %dma_wait3A_56] : memref<2560x128xi32, #tpu.memory_space<hbm>> -> memref<80x128xi32, #tpu.memory_space<hbm>>
      %dma_wait3A_58 = arith.constant 0 : i32
      %dma_wait3A_59 = tpu.memref_slice %arg5[%mul3A_17, %dma_wait3A_58] : memref<2560x128xi32, #tpu.memory_space<hbm>> -> memref<80x128xi32, #tpu.memory_space<hbm>>
      tpu.wait_dma2 semaphore(%run_scoped3A : memref<!tpu.dma_semaphore, #tpu.memory_space<semaphore_mem>>) src(%dma_wait3A_59 : memref<80x128xi32, #tpu.memory_space<hbm>>) dst(%arg8 : memref<80x128xi32, #tpu.memory_space<vmem>>)
      tpu.yield
    }) : () -> ()
    %mul3A_18 = arith.constant 80 : i32
    %mul3A_19 = arith.muli %add3A, %mul3A_18 : i32
    "tpu.region"() ({
      %run_scoped3A = tpu.sem_alloc : memref<!tpu.dma_semaphore, #tpu.memory_space<semaphore_mem>>
      %dma_start3A_52 = arith.constant 0 : i32
      %dma_start3A_53 = tpu.memref_slice %arg6[%mul3A_19, %dma_start3A_52] : memref<2560x128xi32, #tpu.memory_space<hbm>> -> memref<80x128xi32, #tpu.memory_space<hbm>>
      %dma_start3A_54 = arith.constant 0 : i32
      %dma_start3A_55 = tpu.memref_slice %arg6[%mul3A_19, %dma_start3A_54] : memref<2560x128xi32, #tpu.memory_space<hbm>> -> memref<80x128xi32, #tpu.memory_space<hbm>>
      tpu.enqueue_dma source(%dma_start3A_55 : memref<80x128xi32, #tpu.memory_space<hbm>>) target(%arg9 : memref<80x128xi32, #tpu.memory_space<vmem>>) target_semaphore(%run_scoped3A : memref<!tpu.dma_semaphore, #tpu.memory_space<semaphore_mem>>)
      %dma_wait3A_56 = arith.constant 0 : i32
      %dma_wait3A_57 = tpu.memref_slice %arg6[%mul3A_19, %dma_wait3A_56] : memref<2560x128xi32, #tpu.memory_space<hbm>> -> memref<80x128xi32, #tpu.memory_space<hbm>>
      %dma_wait3A_58 = arith.constant 0 : i32
      %dma_wait3A_59 = tpu.memref_slice %arg6[%mul3A_19, %dma_wait3A_58] : memref<2560x128xi32, #tpu.memory_space<hbm>> -> memref<80x128xi32, #tpu.memory_space<hbm>>
      tpu.wait_dma2 semaphore(%run_scoped3A : memref<!tpu.dma_semaphore, #tpu.memory_space<semaphore_mem>>) src(%dma_wait3A_59 : memref<80x128xi32, #tpu.memory_space<hbm>>) dst(%arg9 : memref<80x128xi32, #tpu.memory_space<vmem>>)
      tpu.yield
    }) : () -> ()
    %dma_start3A = arith.constant 0 : i32
    %dma_start3A_20 = arith.constant 0 : i32
    %dma_start3A_21 = tpu.memref_slice %arg8[%dma_start3A, %dma_start3A_20] : memref<80x128xi32, #tpu.memory_space<vmem>> -> memref<1x128xi32, #tpu.memory_space<vmem>>
    %dma_start3A_22 = tpu.memref_squeeze %dma_start3A_21 : memref<1x128xi32, #tpu.memory_space<vmem>> -> memref<128xi32, #tpu.memory_space<vmem>>
    %dma_start3A_23 = arith.constant 0 : i32
    %dma_start3A_24 = arith.constant 0 : i32
    %dma_start3A_25 = tpu.memref_slice %arg2[%dma_start3A_23, %dma_start3A_24] : memref<10000x64xbf16, #tpu.memory_space<hbm>> -> memref<10000x64xbf16, #tpu.memory_space<hbm>>
    tpu.enqueue_indirect_dma source(%dma_start3A_25 : memref<10000x64xbf16, #tpu.memory_space<hbm>>) target(%arg10 : memref<128x64xbf16, #tpu.memory_space<vmem>>) offsets(%dma_start3A_22 : memref<128xi32, #tpu.memory_space<vmem>>) semaphore(%arg19 : memref<!tpu.dma_semaphore, #tpu.memory_space<semaphore_mem>>)
    %dma_start3A_26 = arith.constant 1 : i32
    %dma_start3A_27 = arith.constant 0 : i32
    %dma_start3A_28 = tpu.memref_slice %arg8[%dma_start3A_26, %dma_start3A_27] : memref<80x128xi32, #tpu.memory_space<vmem>> -> memref<1x128xi32, #tpu.memory_space<vmem>>
    %dma_start3A_29 = tpu.memref_squeeze %dma_start3A_28 : memref<1x128xi32, #tpu.memory_space<vmem>> -> memref<128xi32, #tpu.memory_space<vmem>>
    %dma_start3A_30 = arith.constant 0 : i32
    %dma_start3A_31 = arith.constant 0 : i32
    %dma_start3A_32 = tpu.memref_slice %arg2[%dma_start3A_30, %dma_start3A_31] : memref<10000x64xbf16, #tpu.memory_space<hbm>> -> memref<10000x64xbf16, #tpu.memory_space<hbm>>
    tpu.enqueue_indirect_dma source(%dma_start3A_32 : memref<10000x64xbf16, #tpu.memory_space<hbm>>) target(%arg11 : memref<128x64xbf16, #tpu.memory_space<vmem>>) offsets(%dma_start3A_29 : memref<128xi32, #tpu.memory_space<vmem>>) semaphore(%arg20 : memref<!tpu.dma_semaphore, #tpu.memory_space<semaphore_mem>>)
    %scan3A_33 = arith.constant 0 : i32
    %scan3A_34 = arith.constant 40 : i32
    %scan3A_35 = arith.addi %scan3A_33, %scan3A_34 : i32
    %scan3A_36 = arith.constant 1 : i32
    scf.for %scan3A_52 = %scan3A_33 to %scan3A_35 step %scan3A_36  : i32 {
      %mul3A_53 = arith.constant 2 : i32
      %mul3A_54 = arith.muli %scan3A_52, %mul3A_53 : i32
      %add3A_55 = arith.constant 0 : i32
      %add3A_56 = arith.addi %add3A_55, %mul3A_54 : i32
      %add3A_57 = arith.constant 0 : i32
      %add3A_58 = arith.addi %add3A_56, %add3A_57 : i32
      %dma_wait3A_59 = arith.constant 0 : i32
      %dma_wait3A_60 = tpu.memref_slice %arg8[%add3A_58, %dma_wait3A_59] : memref<80x128xi32, #tpu.memory_space<vmem>> -> memref<1x128xi32, #tpu.memory_space<vmem>>
      %dma_wait3A_61 = tpu.memref_squeeze %dma_wait3A_60 : memref<1x128xi32, #tpu.memory_space<vmem>> -> memref<128xi32, #tpu.memory_space<vmem>>
      %dma_wait3A_62 = arith.constant 0 : i32
      %dma_wait3A_63 = arith.constant 0 : i32
      %dma_wait3A_64 = tpu.memref_slice %arg2[%dma_wait3A_62, %dma_wait3A_63] : memref<10000x64xbf16, #tpu.memory_space<hbm>> -> memref<10000x64xbf16, #tpu.memory_space<hbm>>
      tpu.wait_indirect_dma semaphore(%arg19 : memref<!tpu.dma_semaphore, #tpu.memory_space<semaphore_mem>>) src(%dma_wait3A_64 : memref<10000x64xbf16, #tpu.memory_space<hbm>>) dst(%arg10 : memref<128x64xbf16, #tpu.memory_space<vmem>>)
      %ge3A = arith.constant 2 : i32
      %ge3A_65 = arith.cmpi sge, %add3A_56, %ge3A : i32
      %convert_element_type3A = arith.extui %ge3A_65 : i1 to i32
      %cond3A = arith.constant 0 : i32
      %cond3A_66 = arith.cmpi ne, %convert_element_type3A, %cond3A : i32
      scf.if %cond3A_66 {
        %sub3A = arith.constant 2 : i32
        %sub3A_125 = arith.subi %add3A_58, %sub3A : i32
        %dma_wait3A_126 = arith.constant 0 : i32
        %dma_wait3A_127 = tpu.memref_slice %arg9[%sub3A_125, %dma_wait3A_126] : memref<80x128xi32, #tpu.memory_space<vmem>> -> memref<1x128xi32, #tpu.memory_space<vmem>>
        %dma_wait3A_128 = tpu.memref_squeeze %dma_wait3A_127 : memref<1x128xi32, #tpu.memory_space<vmem>> -> memref<128xi32, #tpu.memory_space<vmem>>
        %dma_wait3A_129 = arith.constant 0 : i32
        %dma_wait3A_130 = arith.constant 0 : i32
        %dma_wait3A_131 = tpu.memref_slice %arg17[%dma_wait3A_129, %dma_wait3A_130] : memref<10112x48xf32, #tpu.memory_space<vmem_shared>> -> memref<10112x48xf32, #tpu.memory_space<vmem_shared>>
        tpu.wait_indirect_dma semaphore(%arg21 : memref<!tpu.dma_semaphore, #tpu.memory_space<semaphore_mem>>) src(%arg12 : memref<128x48xf32, #tpu.memory_space<vmem>>) dst(%dma_wait3A_131 : memref<10112x48xf32, #tpu.memory_space<vmem_shared>>)
      } else {
      }
      %scan3A_67 = arith.constant 0 : i32
      %scan3A_68 = arith.constant 8 : i32
      %scan3A_69 = arith.addi %scan3A_67, %scan3A_68 : i32
      %scan3A_70 = arith.constant 1 : i32
      scf.for %scan3A_125 = %scan3A_67 to %scan3A_69 step %scan3A_70  : i32 {
        %mul3A_126 = arith.constant 1 : i32
        %mul3A_127 = arith.muli %scan3A_125, %mul3A_126 : i32
        %add3A_128 = arith.constant 0 : i32
        %add3A_129 = arith.addi %add3A_128, %mul3A_127 : i32
        %mul3A_130 = arith.constant 16 : i32
        %mul3A_131 = arith.muli %mul3A_130, %add3A_129 : i32
        %get3A = arith.index_cast %add3A_58 : i32 to index
        %get3A_132 = arith.index_cast %mul3A_131 : i32 to index
        %get3A_133 = tpu.vector_load %arg8[%get3A, %get3A_132] {strides = array<i32>} : memref<80x128xi32, #tpu.memory_space<vmem>>, vector<16xi32>,
        %mul3A_134 = arith.constant 16 : i32
        %mul3A_135 = arith.muli %mul3A_134, %add3A_129 : i32
        %get3A_136 = arith.index_cast %add3A_58 : i32 to index
        %get3A_137 = arith.index_cast %mul3A_135 : i32 to index
        %get3A_138 = tpu.vector_load %arg9[%get3A_136, %get3A_137] {strides = array<i32>} : memref<80x128xi32, #tpu.memory_space<vmem>>, vector<16xi32>,
        %shift_right_arithmetic3A = arith.constant 7 : i32
        %shift_right_arithmetic3A_139 = vector.broadcast %shift_right_arithmetic3A : i32 to vector<16xi32>
        %shift_right_arithmetic3A_140 = arith.shrsi %get3A_133, %shift_right_arithmetic3A_139 : vector<16xi32>
        %and3A = arith.constant 127 : i32
        %and3A_141 = vector.broadcast %and3A : i32 to vector<16xi32>
        %and3A_142 = arith.andi %get3A_133, %and3A_141 : vector<16xi32>
        %gather3A = tpu.vector_load_idx %arg14[%shift_right_arithmetic3A_140, %and3A_142] : memref<79x128xf32, #tpu.memory_space<vmem>>[vector<16xi32>, vector<16xi32>], vector<16xf32>,
        %shift_right_arithmetic3A_143 = arith.constant 7 : i32
        %shift_right_arithmetic3A_144 = vector.broadcast %shift_right_arithmetic3A_143 : i32 to vector<16xi32>
        %shift_right_arithmetic3A_145 = arith.shrsi %get3A_138, %shift_right_arithmetic3A_144 : vector<16xi32>
        %and3A_146 = arith.constant 127 : i32
        %and3A_147 = vector.broadcast %and3A_146 : i32 to vector<16xi32>
        %and3A_148 = arith.andi %get3A_138, %and3A_147 : vector<16xi32>
        %gather3A_149 = tpu.vector_load_idx %arg15[%shift_right_arithmetic3A_145, %and3A_148] : memref<79x128xf32, #tpu.memory_space<vmem>>[vector<16xi32>, vector<16xi32>], vector<16xf32>,
        %add3A_150 = arith.addf %gather3A, %gather3A_149 : vector<16xf32>
        %ge3A_151 = arith.constant 0.000000e+00 : f32
        %ge3A_152 = vector.broadcast %ge3A_151 : f32 to vector<16xf32>
        %ge3A_153 = arith.cmpf oge, %add3A_150, %ge3A_152 : vector<16xf32>
        %mul3A_154 = arith.constant 2.000000e-01 : f32
        %mul3A_155 = vector.broadcast %mul3A_154 : f32 to vector<16xf32>
        %mul3A_156 = arith.mulf %mul3A_155, %add3A_150 : vector<16xf32>
        %select_n3A = arith.select %ge3A_153, %add3A_150, %mul3A_156 : vector<16xi1>, vector<16xf32>
        %exp3A = math.exp %select_n3A : vector<16xf32>
        %mul3A_157 = arith.constant 16 : i32
        %mul3A_158 = arith.muli %mul3A_157, %add3A_129 : i32
        %swap3A = arith.index_cast %mul3A_158 : i32 to index
        %swap3A_159 = tpu.vector_load %arg16[%swap3A] {strides = array<i32>} : memref<128xf32, #tpu.memory_space<vmem>>, vector<16xf32>,
        tpu.vector_store %arg16[%swap3A], %exp3A {strides = array<i32>} : memref<128xf32, #tpu.memory_space<vmem>>, vector<16xf32>,
      }
      %scan3A_71 = arith.constant 8 : i32
      %scan3A_72 = arith.constant 0 : i32
      %scan3A_73 = arith.constant 128 : i32
      %scan3A_74 = arith.addi %scan3A_72, %scan3A_73 : i32
      %scan3A_75 = arith.constant 1 : i32
      scf.for %scan3A_125 = %scan3A_72 to %scan3A_74 step %scan3A_75  : i32 {
        %mul3A_126 = arith.constant 1 : i32
        %mul3A_127 = arith.muli %scan3A_125, %mul3A_126 : i32
        %add3A_128 = arith.constant 0 : i32
        %add3A_129 = arith.addi %add3A_128, %mul3A_127 : i32
        %broadcast_in_dim3A_130 = vector.broadcast %add3A_129 : i32 to vector<16xi32>
        %gather3A = tpu.vector_load_idx %arg16[%broadcast_in_dim3A_130] : memref<128xf32, #tpu.memory_space<vmem>>[vector<16xi32>], vector<16xf32>,
        %get3A = arith.index_cast %add3A_129 : i32 to index
        %get3A_131 = arith.constant 0 : index
        %get3A_132 = tpu.vector_load %arg10[%get3A, %get3A_131] {strides = array<i32>} : memref<128x64xbf16, #tpu.memory_space<vmem>>, vector<32xbf16>,
        %unpack3A = tpu.unpack_subelements %get3A_132, 0 {pack_format = #tpu.pack_format<interleaved>} : vector<32xbf16> -> vector<16xf32>
        %unpack3A_133 = tpu.unpack_subelements %get3A_132, 1 {pack_format = #tpu.pack_format<interleaved>} : vector<32xbf16> -> vector<16xf32>
        %get3A_134 = arith.index_cast %add3A_129 : i32 to index
        %get3A_135 = arith.constant 32 : index
        %get3A_136 = tpu.vector_load %arg10[%get3A_134, %get3A_135] {strides = array<i32>} : memref<128x64xbf16, #tpu.memory_space<vmem>>, vector<32xbf16>,
        %unpack3A_137 = tpu.unpack_subelements %get3A_136, 0 {pack_format = #tpu.pack_format<interleaved>} : vector<32xbf16> -> vector<16xf32>
        %unpack3A_138 = tpu.unpack_subelements %get3A_136, 1 {pack_format = #tpu.pack_format<interleaved>} : vector<32xbf16> -> vector<16xf32>
        %mul3A_139 = arith.mulf %gather3A, %unpack3A : vector<16xf32>
        %swap3A = arith.index_cast %add3A_129 : i32 to index
        %swap3A_140 = arith.constant 0 : index
        %swap3A_141 = tpu.vector_load %arg12[%swap3A, %swap3A_140] {strides = array<i32>} : memref<128x48xf32, #tpu.memory_space<vmem>>, vector<16xf32>,
        tpu.vector_store %arg12[%swap3A, %swap3A_140], %mul3A_139 {strides = array<i32>} : memref<128x48xf32, #tpu.memory_space<vmem>>, vector<16xf32>,
        %mul3A_142 = arith.mulf %gather3A, %unpack3A_133 : vector<16xf32>
        %swap3A_143 = arith.index_cast %add3A_129 : i32 to index
        %swap3A_144 = arith.constant 16 : index
        %swap3A_145 = tpu.vector_load %arg12[%swap3A_143, %swap3A_144] {strides = array<i32>} : memref<128x48xf32, #tpu.memory_space<vmem>>, vector<16xf32>,
        tpu.vector_store %arg12[%swap3A_143, %swap3A_144], %mul3A_142 {strides = array<i32>} : memref<128x48xf32, #tpu.memory_space<vmem>>, vector<16xf32>,
        %lt3A_146 = arith.constant 8 : i32
        %lt3A_147 = vector.broadcast %lt3A_146 : i32 to vector<16xi32>
        %lt3A_148 = arith.cmpi slt, %iota3A, %lt3A_147 : vector<16xi32>
        %jit3A = arith.constant 1.000000e+00 : f32
        %broadcast_in_dim3A_149 = vector.broadcast %jit3A : f32 to vector<16xf32>
        %select_n3A = arith.select %lt3A_148, %unpack3A_137, %broadcast_in_dim3A_149 : vector<16xi1>, vector<16xf32>
        %mul3A_150 = arith.mulf %gather3A, %select_n3A : vector<16xf32>
        %swap3A_151 = arith.index_cast %add3A_129 : i32 to index
        %swap3A_152 = arith.constant 32 : index
        %swap3A_153 = tpu.vector_load %arg12[%swap3A_151, %swap3A_152] {strides = array<i32>} : memref<128x48xf32, #tpu.memory_space<vmem>>, vector<16xf32>,
        tpu.vector_store %arg12[%swap3A_151, %swap3A_152], %mul3A_150 {strides = array<i32>} : memref<128x48xf32, #tpu.memory_space<vmem>>, vector<16xf32>,
      }
      %scan3A_76 = arith.constant 128 : i32
      %dma_start3A_77 = arith.constant 0 : i32
      %dma_start3A_78 = tpu.memref_slice %arg9[%add3A_58, %dma_start3A_77] : memref<80x128xi32, #tpu.memory_space<vmem>> -> memref<1x128xi32, #tpu.memory_space<vmem>>
      %dma_start3A_79 = tpu.memref_squeeze %dma_start3A_78 : memref<1x128xi32, #tpu.memory_space<vmem>> -> memref<128xi32, #tpu.memory_space<vmem>>
      %dma_start3A_80 = arith.constant 0 : i32
      %dma_start3A_81 = arith.constant 0 : i32
      %dma_start3A_82 = tpu.memref_slice %arg17[%dma_start3A_80, %dma_start3A_81] : memref<10112x48xf32, #tpu.memory_space<vmem_shared>> -> memref<10112x48xf32, #tpu.memory_space<vmem_shared>>
      tpu.enqueue_indirect_dma source(%arg12 : memref<128x48xf32, #tpu.memory_space<vmem>>) target(%dma_start3A_82 : memref<10112x48xf32, #tpu.memory_space<vmem_shared>>) offsets(%dma_start3A_79 : memref<128xi32, #tpu.memory_space<vmem>>) semaphore(%arg21 : memref<!tpu.dma_semaphore, #tpu.memory_space<semaphore_mem>>) {add = true}
      %add3A_83 = arith.constant 2 : i32
      %add3A_84 = arith.addi %add3A_58, %add3A_83 : i32
      %lt3A = arith.constant 80 : i32
      %lt3A_85 = arith.cmpi slt, %add3A_84, %lt3A : i32
      %convert_element_type3A_86 = arith.extui %lt3A_85 : i1 to i32
      %cond3A_87 = arith.constant 0 : i32
      %cond3A_88 = arith.cmpi ne, %convert_element_type3A_86, %cond3A_87 : i32
      scf.if %cond3A_88 {
        %add3A_125 = arith.constant 2 : i32
        %add3A_126 = arith.addi %add3A_58, %add3A_125 : i32
        %dma_start3A_127 = arith.constant 0 : i32
        %dma_start3A_128 = tpu.memref_slice %arg8[%add3A_126, %dma_start3A_127] : memref<80x128xi32, #tpu.memory_space<vmem>> -> memref<1x128xi32, #tpu.memory_space<vmem>>
        %dma_start3A_129 = tpu.memref_squeeze %dma_start3A_128 : memref<1x128xi32, #tpu.memory_space<vmem>> -> memref<128xi32, #tpu.memory_space<vmem>>
        %dma_start3A_130 = arith.constant 0 : i32
        %dma_start3A_131 = arith.constant 0 : i32
        %dma_start3A_132 = tpu.memref_slice %arg2[%dma_start3A_130, %dma_start3A_131] : memref<10000x64xbf16, #tpu.memory_space<hbm>> -> memref<10000x64xbf16, #tpu.memory_space<hbm>>
        tpu.enqueue_indirect_dma source(%dma_start3A_132 : memref<10000x64xbf16, #tpu.memory_space<hbm>>) target(%arg10 : memref<128x64xbf16, #tpu.memory_space<vmem>>) offsets(%dma_start3A_129 : memref<128xi32, #tpu.memory_space<vmem>>) semaphore(%arg19 : memref<!tpu.dma_semaphore, #tpu.memory_space<semaphore_mem>>)
      } else {
      }
      %add3A_89 = arith.constant 1 : i32
      %add3A_90 = arith.addi %add3A_56, %add3A_89 : i32
      %dma_wait3A_91 = arith.constant 0 : i32
      %dma_wait3A_92 = tpu.memref_slice %arg8[%add3A_90, %dma_wait3A_91] : memref<80x128xi32, #tpu.memory_space<vmem>> -> memref<1x128xi32, #tpu.memory_space<vmem>>
      %dma_wait3A_93 = tpu.memref_squeeze %dma_wait3A_92 : memref<1x128xi32, #tpu.memory_space<vmem>> -> memref<128xi32, #tpu.memory_space<vmem>>
      %dma_wait3A_94 = arith.constant 0 : i32
      %dma_wait3A_95 = arith.constant 0 : i32
      %dma_wait3A_96 = tpu.memref_slice %arg2[%dma_wait3A_94, %dma_wait3A_95] : memref<10000x64xbf16, #tpu.memory_space<hbm>> -> memref<10000x64xbf16, #tpu.memory_space<hbm>>
      tpu.wait_indirect_dma semaphore(%arg20 : memref<!tpu.dma_semaphore, #tpu.memory_space<semaphore_mem>>) src(%dma_wait3A_96 : memref<10000x64xbf16, #tpu.memory_space<hbm>>) dst(%arg11 : memref<128x64xbf16, #tpu.memory_space<vmem>>)
      %ge3A_97 = arith.constant 2 : i32
      %ge3A_98 = arith.cmpi sge, %add3A_56, %ge3A_97 : i32
      %convert_element_type3A_99 = arith.extui %ge3A_98 : i1 to i32
      %cond3A_100 = arith.constant 0 : i32
      %cond3A_101 = arith.cmpi ne, %convert_element_type3A_99, %cond3A_100 : i32
      scf.if %cond3A_101 {
        %sub3A = arith.constant 2 : i32
        %sub3A_125 = arith.subi %add3A_90, %sub3A : i32
        %dma_wait3A_126 = arith.constant 0 : i32
        %dma_wait3A_127 = tpu.memref_slice %arg9[%sub3A_125, %dma_wait3A_126] : memref<80x128xi32, #tpu.memory_space<vmem>> -> memref<1x128xi32, #tpu.memory_space<vmem>>
        %dma_wait3A_128 = tpu.memref_squeeze %dma_wait3A_127 : memref<1x128xi32, #tpu.memory_space<vmem>> -> memref<128xi32, #tpu.memory_space<vmem>>
        %dma_wait3A_129 = arith.constant 0 : i32
        %dma_wait3A_130 = arith.constant 0 : i32
        %dma_wait3A_131 = tpu.memref_slice %arg17[%dma_wait3A_129, %dma_wait3A_130] : memref<10112x48xf32, #tpu.memory_space<vmem_shared>> -> memref<10112x48xf32, #tpu.memory_space<vmem_shared>>
        tpu.wait_indirect_dma semaphore(%arg22 : memref<!tpu.dma_semaphore, #tpu.memory_space<semaphore_mem>>) src(%arg13 : memref<128x48xf32, #tpu.memory_space<vmem>>) dst(%dma_wait3A_131 : memref<10112x48xf32, #tpu.memory_space<vmem_shared>>)
      } else {
      }
      %scan3A_102 = arith.constant 0 : i32
      %scan3A_103 = arith.constant 8 : i32
      %scan3A_104 = arith.addi %scan3A_102, %scan3A_103 : i32
      %scan3A_105 = arith.constant 1 : i32
      scf.for %scan3A_125 = %scan3A_102 to %scan3A_104 step %scan3A_105  : i32 {
        %mul3A_126 = arith.constant 1 : i32
        %mul3A_127 = arith.muli %scan3A_125, %mul3A_126 : i32
        %add3A_128 = arith.constant 0 : i32
        %add3A_129 = arith.addi %add3A_128, %mul3A_127 : i32
        %mul3A_130 = arith.constant 16 : i32
        %mul3A_131 = arith.muli %mul3A_130, %add3A_129 : i32
        %get3A = arith.index_cast %add3A_90 : i32 to index
        %get3A_132 = arith.index_cast %mul3A_131 : i32 to index
        %get3A_133 = tpu.vector_load %arg8[%get3A, %get3A_132] {strides = array<i32>} : memref<80x128xi32, #tpu.memory_space<vmem>>, vector<16xi32>,
        %mul3A_134 = arith.constant 16 : i32
        %mul3A_135 = arith.muli %mul3A_134, %add3A_129 : i32
        %get3A_136 = arith.index_cast %add3A_90 : i32 to index
        %get3A_137 = arith.index_cast %mul3A_135 : i32 to index
        %get3A_138 = tpu.vector_load %arg9[%get3A_136, %get3A_137] {strides = array<i32>} : memref<80x128xi32, #tpu.memory_space<vmem>>, vector<16xi32>,
        %shift_right_arithmetic3A = arith.constant 7 : i32
        %shift_right_arithmetic3A_139 = vector.broadcast %shift_right_arithmetic3A : i32 to vector<16xi32>
        %shift_right_arithmetic3A_140 = arith.shrsi %get3A_133, %shift_right_arithmetic3A_139 : vector<16xi32>
        %and3A = arith.constant 127 : i32
        %and3A_141 = vector.broadcast %and3A : i32 to vector<16xi32>
        %and3A_142 = arith.andi %get3A_133, %and3A_141 : vector<16xi32>
        %gather3A = tpu.vector_load_idx %arg14[%shift_right_arithmetic3A_140, %and3A_142] : memref<79x128xf32, #tpu.memory_space<vmem>>[vector<16xi32>, vector<16xi32>], vector<16xf32>,
        %shift_right_arithmetic3A_143 = arith.constant 7 : i32
        %shift_right_arithmetic3A_144 = vector.broadcast %shift_right_arithmetic3A_143 : i32 to vector<16xi32>
        %shift_right_arithmetic3A_145 = arith.shrsi %get3A_138, %shift_right_arithmetic3A_144 : vector<16xi32>
        %and3A_146 = arith.constant 127 : i32
        %and3A_147 = vector.broadcast %and3A_146 : i32 to vector<16xi32>
        %and3A_148 = arith.andi %get3A_138, %and3A_147 : vector<16xi32>
        %gather3A_149 = tpu.vector_load_idx %arg15[%shift_right_arithmetic3A_145, %and3A_148] : memref<79x128xf32, #tpu.memory_space<vmem>>[vector<16xi32>, vector<16xi32>], vector<16xf32>,
        %add3A_150 = arith.addf %gather3A, %gather3A_149 : vector<16xf32>
        %ge3A_151 = arith.constant 0.000000e+00 : f32
        %ge3A_152 = vector.broadcast %ge3A_151 : f32 to vector<16xf32>
        %ge3A_153 = arith.cmpf oge, %add3A_150, %ge3A_152 : vector<16xf32>
        %mul3A_154 = arith.constant 2.000000e-01 : f32
        %mul3A_155 = vector.broadcast %mul3A_154 : f32 to vector<16xf32>
        %mul3A_156 = arith.mulf %mul3A_155, %add3A_150 : vector<16xf32>
        %select_n3A = arith.select %ge3A_153, %add3A_150, %mul3A_156 : vector<16xi1>, vector<16xf32>
        %exp3A = math.exp %select_n3A : vector<16xf32>
        %mul3A_157 = arith.constant 16 : i32
        %mul3A_158 = arith.muli %mul3A_157, %add3A_129 : i32
        %swap3A = arith.index_cast %mul3A_158 : i32 to index
        %swap3A_159 = tpu.vector_load %arg16[%swap3A] {strides = array<i32>} : memref<128xf32, #tpu.memory_space<vmem>>, vector<16xf32>,
        tpu.vector_store %arg16[%swap3A], %exp3A {strides = array<i32>} : memref<128xf32, #tpu.memory_space<vmem>>, vector<16xf32>,
      }
      %scan3A_106 = arith.constant 8 : i32
      %scan3A_107 = arith.constant 0 : i32
      %scan3A_108 = arith.constant 128 : i32
      %scan3A_109 = arith.addi %scan3A_107, %scan3A_108 : i32
      %scan3A_110 = arith.constant 1 : i32
      scf.for %scan3A_125 = %scan3A_107 to %scan3A_109 step %scan3A_110  : i32 {
        %mul3A_126 = arith.constant 1 : i32
        %mul3A_127 = arith.muli %scan3A_125, %mul3A_126 : i32
        %add3A_128 = arith.constant 0 : i32
        %add3A_129 = arith.addi %add3A_128, %mul3A_127 : i32
        %broadcast_in_dim3A_130 = vector.broadcast %add3A_129 : i32 to vector<16xi32>
        %gather3A = tpu.vector_load_idx %arg16[%broadcast_in_dim3A_130] : memref<128xf32, #tpu.memory_space<vmem>>[vector<16xi32>], vector<16xf32>,
        %get3A = arith.index_cast %add3A_129 : i32 to index
        %get3A_131 = arith.constant 0 : index
        %get3A_132 = tpu.vector_load %arg11[%get3A, %get3A_131] {strides = array<i32>} : memref<128x64xbf16, #tpu.memory_space<vmem>>, vector<32xbf16>,
        %unpack3A = tpu.unpack_subelements %get3A_132, 0 {pack_format = #tpu.pack_format<interleaved>} : vector<32xbf16> -> vector<16xf32>
        %unpack3A_133 = tpu.unpack_subelements %get3A_132, 1 {pack_format = #tpu.pack_format<interleaved>} : vector<32xbf16> -> vector<16xf32>
        %get3A_134 = arith.index_cast %add3A_129 : i32 to index
        %get3A_135 = arith.constant 32 : index
        %get3A_136 = tpu.vector_load %arg11[%get3A_134, %get3A_135] {strides = array<i32>} : memref<128x64xbf16, #tpu.memory_space<vmem>>, vector<32xbf16>,
        %unpack3A_137 = tpu.unpack_subelements %get3A_136, 0 {pack_format = #tpu.pack_format<interleaved>} : vector<32xbf16> -> vector<16xf32>
        %unpack3A_138 = tpu.unpack_subelements %get3A_136, 1 {pack_format = #tpu.pack_format<interleaved>} : vector<32xbf16> -> vector<16xf32>
        %mul3A_139 = arith.mulf %gather3A, %unpack3A : vector<16xf32>
        %swap3A = arith.index_cast %add3A_129 : i32 to index
        %swap3A_140 = arith.constant 0 : index
        %swap3A_141 = tpu.vector_load %arg13[%swap3A, %swap3A_140] {strides = array<i32>} : memref<128x48xf32, #tpu.memory_space<vmem>>, vector<16xf32>,
        tpu.vector_store %arg13[%swap3A, %swap3A_140], %mul3A_139 {strides = array<i32>} : memref<128x48xf32, #tpu.memory_space<vmem>>, vector<16xf32>,
        %mul3A_142 = arith.mulf %gather3A, %unpack3A_133 : vector<16xf32>
        %swap3A_143 = arith.index_cast %add3A_129 : i32 to index
        %swap3A_144 = arith.constant 16 : index
        %swap3A_145 = tpu.vector_load %arg13[%swap3A_143, %swap3A_144] {strides = array<i32>} : memref<128x48xf32, #tpu.memory_space<vmem>>, vector<16xf32>,
        tpu.vector_store %arg13[%swap3A_143, %swap3A_144], %mul3A_142 {strides = array<i32>} : memref<128x48xf32, #tpu.memory_space<vmem>>, vector<16xf32>,
        %lt3A_146 = arith.constant 8 : i32
        %lt3A_147 = vector.broadcast %lt3A_146 : i32 to vector<16xi32>
        %lt3A_148 = arith.cmpi slt, %iota3A, %lt3A_147 : vector<16xi32>
        %jit3A = arith.constant 1.000000e+00 : f32
        %broadcast_in_dim3A_149 = vector.broadcast %jit3A : f32 to vector<16xf32>
        %select_n3A = arith.select %lt3A_148, %unpack3A_137, %broadcast_in_dim3A_149 : vector<16xi1>, vector<16xf32>
        %mul3A_150 = arith.mulf %gather3A, %select_n3A : vector<16xf32>
        %swap3A_151 = arith.index_cast %add3A_129 : i32 to index
        %swap3A_152 = arith.constant 32 : index
        %swap3A_153 = tpu.vector_load %arg13[%swap3A_151, %swap3A_152] {strides = array<i32>} : memref<128x48xf32, #tpu.memory_space<vmem>>, vector<16xf32>,
        tpu.vector_store %arg13[%swap3A_151, %swap3A_152], %mul3A_150 {strides = array<i32>} : memref<128x48xf32, #tpu.memory_space<vmem>>, vector<16xf32>,
      }
      %scan3A_111 = arith.constant 128 : i32
      %dma_start3A_112 = arith.constant 0 : i32
      %dma_start3A_113 = tpu.memref_slice %arg9[%add3A_90, %dma_start3A_112] : memref<80x128xi32, #tpu.memory_space<vmem>> -> memref<1x128xi32, #tpu.memory_space<vmem>>
      %dma_start3A_114 = tpu.memref_squeeze %dma_start3A_113 : memref<1x128xi32, #tpu.memory_space<vmem>> -> memref<128xi32, #tpu.memory_space<vmem>>
      %dma_start3A_115 = arith.constant 0 : i32
      %dma_start3A_116 = arith.constant 0 : i32
      %dma_start3A_117 = tpu.memref_slice %arg17[%dma_start3A_115, %dma_start3A_116] : memref<10112x48xf32, #tpu.memory_space<vmem_shared>> -> memref<10112x48xf32, #tpu.memory_space<vmem_shared>>
      tpu.enqueue_indirect_dma source(%arg13 : memref<128x48xf32, #tpu.memory_space<vmem>>) target(%dma_start3A_117 : memref<10112x48xf32, #tpu.memory_space<vmem_shared>>) offsets(%dma_start3A_114 : memref<128xi32, #tpu.memory_space<vmem>>) semaphore(%arg22 : memref<!tpu.dma_semaphore, #tpu.memory_space<semaphore_mem>>) {add = true}
      %add3A_118 = arith.constant 2 : i32
      %add3A_119 = arith.addi %add3A_90, %add3A_118 : i32
      %lt3A_120 = arith.constant 80 : i32
      %lt3A_121 = arith.cmpi slt, %add3A_119, %lt3A_120 : i32
      %convert_element_type3A_122 = arith.extui %lt3A_121 : i1 to i32
      %cond3A_123 = arith.constant 0 : i32
      %cond3A_124 = arith.cmpi ne, %convert_element_type3A_122, %cond3A_123 : i32
      scf.if %cond3A_124 {
        %add3A_125 = arith.constant 2 : i32
        %add3A_126 = arith.addi %add3A_90, %add3A_125 : i32
        %dma_start3A_127 = arith.constant 0 : i32
        %dma_start3A_128 = tpu.memref_slice %arg8[%add3A_126, %dma_start3A_127] : memref<80x128xi32, #tpu.memory_space<vmem>> -> memref<1x128xi32, #tpu.memory_space<vmem>>
        %dma_start3A_129 = tpu.memref_squeeze %dma_start3A_128 : memref<1x128xi32, #tpu.memory_space<vmem>> -> memref<128xi32, #tpu.memory_space<vmem>>
        %dma_start3A_130 = arith.constant 0 : i32
        %dma_start3A_131 = arith.constant 0 : i32
        %dma_start3A_132 = tpu.memref_slice %arg2[%dma_start3A_130, %dma_start3A_131] : memref<10000x64xbf16, #tpu.memory_space<hbm>> -> memref<10000x64xbf16, #tpu.memory_space<hbm>>
        tpu.enqueue_indirect_dma source(%dma_start3A_132 : memref<10000x64xbf16, #tpu.memory_space<hbm>>) target(%arg11 : memref<128x64xbf16, #tpu.memory_space<vmem>>) offsets(%dma_start3A_129 : memref<128xi32, #tpu.memory_space<vmem>>) semaphore(%arg20 : memref<!tpu.dma_semaphore, #tpu.memory_space<semaphore_mem>>)
      } else {
      }
    }
    %scan3A_37 = arith.constant 40 : i32
    %dma_wait3A = arith.constant 78 : i32
    %dma_wait3A_38 = arith.constant 0 : i32
    %dma_wait3A_39 = tpu.memref_slice %arg9[%dma_wait3A, %dma_wait3A_38] : memref<80x128xi32, #tpu.memory_space<vmem>> -> memref<1x128xi32, #tpu.memory_space<vmem>>
    %dma_wait3A_40 = tpu.memref_squeeze %dma_wait3A_39 : memref<1x128xi32, #tpu.memory_space<vmem>> -> memref<128xi32, #tpu.memory_space<vmem>>
    %dma_wait3A_41 = arith.constant 0 : i32
    %dma_wait3A_42 = arith.constant 0 : i32
    %dma_wait3A_43 = tpu.memref_slice %arg17[%dma_wait3A_41, %dma_wait3A_42] : memref<10112x48xf32, #tpu.memory_space<vmem_shared>> -> memref<10112x48xf32, #tpu.memory_space<vmem_shared>>
    tpu.wait_indirect_dma semaphore(%arg21 : memref<!tpu.dma_semaphore, #tpu.memory_space<semaphore_mem>>) src(%arg12 : memref<128x48xf32, #tpu.memory_space<vmem>>) dst(%dma_wait3A_43 : memref<10112x48xf32, #tpu.memory_space<vmem_shared>>)
    %dma_wait3A_44 = arith.constant 79 : i32
    %dma_wait3A_45 = arith.constant 0 : i32
    %dma_wait3A_46 = tpu.memref_slice %arg9[%dma_wait3A_44, %dma_wait3A_45] : memref<80x128xi32, #tpu.memory_space<vmem>> -> memref<1x128xi32, #tpu.memory_space<vmem>>
    %dma_wait3A_47 = tpu.memref_squeeze %dma_wait3A_46 : memref<1x128xi32, #tpu.memory_space<vmem>> -> memref<128xi32, #tpu.memory_space<vmem>>
    %dma_wait3A_48 = arith.constant 0 : i32
    %dma_wait3A_49 = arith.constant 0 : i32
    %dma_wait3A_50 = tpu.memref_slice %arg17[%dma_wait3A_48, %dma_wait3A_49] : memref<10112x48xf32, #tpu.memory_space<vmem_shared>> -> memref<10112x48xf32, #tpu.memory_space<vmem_shared>>
    tpu.wait_indirect_dma semaphore(%arg22 : memref<!tpu.dma_semaphore, #tpu.memory_space<semaphore_mem>>) src(%arg13 : memref<128x48xf32, #tpu.memory_space<vmem>>) dst(%dma_wait3A_50 : memref<10112x48xf32, #tpu.memory_space<vmem_shared>>)
    %barrier3A_51 = arith.constant 0 : index
    tpu.barrier barrier_id(%barrier3A_51)
    "tpu.region"() ({
      %run_scoped3A = tpu.sem_alloc : memref<!tpu.dma_semaphore, #tpu.memory_space<semaphore_mem>>
      %dma_start3A_52 = arith.constant 0 : i32
      %dma_start3A_53 = tpu.memref_slice %arg7[%arg0, %mul3A_5, %dma_start3A_52] : memref<2x10112x48xf32, #tpu.memory_space<hbm>> -> memref<1x632x48xf32, #tpu.memory_space<hbm>>
      %dma_start3A_54 = tpu.memref_squeeze %dma_start3A_53 : memref<1x632x48xf32, #tpu.memory_space<hbm>> -> memref<632x48xf32, #tpu.memory_space<hbm>>
      %dma_start3A_55 = arith.constant 0 : i32
      %dma_start3A_56 = tpu.memref_slice %arg17[%mul3A_5, %dma_start3A_55] : memref<10112x48xf32, #tpu.memory_space<vmem_shared>> -> memref<632x48xf32, #tpu.memory_space<vmem_shared>>
      tpu.enqueue_dma source(%dma_start3A_56 : memref<632x48xf32, #tpu.memory_space<vmem_shared>>) target(%dma_start3A_54 : memref<632x48xf32, #tpu.memory_space<hbm>>) target_semaphore(%run_scoped3A : memref<!tpu.dma_semaphore, #tpu.memory_space<semaphore_mem>>)
      %dma_wait3A_57 = arith.constant 0 : i32
      %dma_wait3A_58 = tpu.memref_slice %arg7[%arg0, %mul3A_5, %dma_wait3A_57] : memref<2x10112x48xf32, #tpu.memory_space<hbm>> -> memref<1x632x48xf32, #tpu.memory_space<hbm>>
      %dma_wait3A_59 = tpu.memref_squeeze %dma_wait3A_58 : memref<1x632x48xf32, #tpu.memory_space<hbm>> -> memref<632x48xf32, #tpu.memory_space<hbm>>
      %dma_wait3A_60 = arith.constant 0 : i32
      %dma_wait3A_61 = tpu.memref_slice %arg17[%mul3A_5, %dma_wait3A_60] : memref<10112x48xf32, #tpu.memory_space<vmem_shared>> -> memref<632x48xf32, #tpu.memory_space<vmem_shared>>
      tpu.wait_dma2 semaphore(%run_scoped3A : memref<!tpu.dma_semaphore, #tpu.memory_space<semaphore_mem>>) src(%dma_wait3A_61 : memref<632x48xf32, #tpu.memory_space<vmem_shared>>) dst(%dma_wait3A_59 : memref<632x48xf32, #tpu.memory_space<hbm>>)
      tpu.yield
    }) : () -> ()
    return
  }
}

#map = affine_map<(d0, d1) -> (0, 0)>
#map1 = affine_map<(d0, d1) -> (0, 0, 0)>
module attributes {stable_mosaic.version = 14 : i64} {
  func.func @edge_kernel(%arg0: i32, %arg1: i32, %arg2: memref<10000x96xbf16, #tpu.memory_space<hbm>>, %arg3: memref<10112x16xf32, #tpu.memory_space<hbm>>, %arg4: memref<2560x128xi32, #tpu.memory_space<hbm>>, %arg5: memref<2560x128xi32, #tpu.memory_space<hbm>>, %arg6: memref<2x10112x80xf32, #tpu.memory_space<hbm>>, %arg7: memref<80x128xi32, #tpu.memory_space<vmem>>, %arg8: memref<80x128xi32, #tpu.memory_space<vmem>>, %arg9: memref<128x96xbf16, #tpu.memory_space<vmem>>, %arg10: memref<128x96xbf16, #tpu.memory_space<vmem>>, %arg11: memref<128x16xf32, #tpu.memory_space<vmem>>, %arg12: memref<128x16xf32, #tpu.memory_space<vmem>>, %arg13: memref<128x80xf32, #tpu.memory_space<vmem>>, %arg14: memref<128x80xf32, #tpu.memory_space<vmem>>, %arg15: memref<10112x80xf32, #tpu.memory_space<vmem_shared>>, %arg16: memref<79x80xf32, #tpu.memory_space<vmem>>, %arg17: memref<!tpu.dma_semaphore, #tpu.memory_space<semaphore_mem>>, %arg18: memref<!tpu.dma_semaphore, #tpu.memory_space<semaphore_mem>>, %arg19: memref<!tpu.dma_semaphore, #tpu.memory_space<semaphore_mem>>, %arg20: memref<!tpu.dma_semaphore, #tpu.memory_space<semaphore_mem>>, %arg21: memref<!tpu.dma_semaphore, #tpu.memory_space<semaphore_mem>>, %arg22: memref<!tpu.dma_semaphore, #tpu.memory_space<semaphore_mem>>) attributes {dimension_semantics = [#tpu.dimension_semantics<core_parallel>, #tpu.dimension_semantics<subcore_parallel>], iteration_bounds = array<i64: 2, 16>, scalar_prefetch = 0 : i64, scratch_operands = 16 : i64, tpu.core_type = #tpu.core_type<sc_vector_subcore>, window_params = [{transform_indices = #map}, {transform_indices = #map}, {transform_indices = #map}, {transform_indices = #map}, {transform_indices = #map1}]} {
    %broadcast_in_dim3A = arith.constant 0.000000e+00 : f32
    %broadcast_in_dim3A_0 = vector.broadcast %broadcast_in_dim3A : f32 to vector<16xf32>
    %scan3A = arith.constant 0 : i32
    %scan3A_1 = arith.constant 79 : i32
    %scan3A_2 = arith.addi %scan3A, %scan3A_1 : i32
    %scan3A_3 = arith.constant 1 : i32
    scf.for %scan3A_63 = %scan3A to %scan3A_2 step %scan3A_3  : i32 {
      %mul3A_64 = arith.constant 1 : i32
      %mul3A_65 = arith.muli %scan3A_63, %mul3A_64 : i32
      %add3A_66 = arith.constant 0 : i32
      %add3A_67 = arith.addi %add3A_66, %mul3A_65 : i32
      %swap3A = arith.index_cast %add3A_67 : i32 to index
      %swap3A_68 = arith.constant 0 : index
      %swap3A_69 = tpu.vector_load %arg16[%swap3A, %swap3A_68] {strides = array<i32>} : memref<79x80xf32, #tpu.memory_space<vmem>>, vector<16xf32>,
      tpu.vector_store %arg16[%swap3A, %swap3A_68], %broadcast_in_dim3A_0 {strides = array<i32>} : memref<79x80xf32, #tpu.memory_space<vmem>>, vector<16xf32>,
      %swap3A_70 = arith.index_cast %add3A_67 : i32 to index
      %swap3A_71 = arith.constant 16 : index
      %swap3A_72 = tpu.vector_load %arg16[%swap3A_70, %swap3A_71] {strides = array<i32>} : memref<79x80xf32, #tpu.memory_space<vmem>>, vector<16xf32>,
      tpu.vector_store %arg16[%swap3A_70, %swap3A_71], %broadcast_in_dim3A_0 {strides = array<i32>} : memref<79x80xf32, #tpu.memory_space<vmem>>, vector<16xf32>,
      %swap3A_73 = arith.index_cast %add3A_67 : i32 to index
      %swap3A_74 = arith.constant 32 : index
      %swap3A_75 = tpu.vector_load %arg16[%swap3A_73, %swap3A_74] {strides = array<i32>} : memref<79x80xf32, #tpu.memory_space<vmem>>, vector<16xf32>,
      tpu.vector_store %arg16[%swap3A_73, %swap3A_74], %broadcast_in_dim3A_0 {strides = array<i32>} : memref<79x80xf32, #tpu.memory_space<vmem>>, vector<16xf32>,
      %swap3A_76 = arith.index_cast %add3A_67 : i32 to index
      %swap3A_77 = arith.constant 48 : index
      %swap3A_78 = tpu.vector_load %arg16[%swap3A_76, %swap3A_77] {strides = array<i32>} : memref<79x80xf32, #tpu.memory_space<vmem>>, vector<16xf32>,
      tpu.vector_store %arg16[%swap3A_76, %swap3A_77], %broadcast_in_dim3A_0 {strides = array<i32>} : memref<79x80xf32, #tpu.memory_space<vmem>>, vector<16xf32>,
      %swap3A_79 = arith.index_cast %add3A_67 : i32 to index
      %swap3A_80 = arith.constant 64 : index
      %swap3A_81 = tpu.vector_load %arg16[%swap3A_79, %swap3A_80] {strides = array<i32>} : memref<79x80xf32, #tpu.memory_space<vmem>>, vector<16xf32>,
      tpu.vector_store %arg16[%swap3A_79, %swap3A_80], %broadcast_in_dim3A_0 {strides = array<i32>} : memref<79x80xf32, #tpu.memory_space<vmem>>, vector<16xf32>,
    }
    %scan3A_4 = arith.constant 79 : i32
    %mul3A = arith.constant 632 : i32
    %mul3A_5 = arith.muli %arg1, %mul3A : i32
    %scan3A_6 = arith.constant 0 : i32
    %scan3A_7 = arith.constant 8 : i32
    %scan3A_8 = arith.addi %scan3A_6, %scan3A_7 : i32
    %scan3A_9 = arith.constant 1 : i32
    scf.for %scan3A_63 = %scan3A_6 to %scan3A_8 step %scan3A_9  : i32 {
      %mul3A_64 = arith.constant 1 : i32
      %mul3A_65 = arith.muli %scan3A_63, %mul3A_64 : i32
      %add3A_66 = arith.constant 0 : i32
      %add3A_67 = arith.addi %add3A_66, %mul3A_65 : i32
      %mul3A_68 = arith.constant 79 : i32
      %mul3A_69 = arith.muli %add3A_67, %mul3A_68 : i32
      %add3A_70 = arith.addi %mul3A_5, %mul3A_69 : i32
      "tpu.region"() ({
        %run_scoped3A = tpu.sem_alloc : memref<!tpu.dma_semaphore, #tpu.memory_space<semaphore_mem>>
        %dma_start3A_71 = arith.constant 0 : i32
        %dma_start3A_72 = tpu.memref_slice %arg15[%add3A_70, %dma_start3A_71] : memref<10112x80xf32, #tpu.memory_space<vmem_shared>> -> memref<79x80xf32, #tpu.memory_space<vmem_shared>>
        %dma_start3A_73 = arith.constant 0 : i32
        %dma_start3A_74 = tpu.memref_slice %arg15[%add3A_70, %dma_start3A_73] : memref<10112x80xf32, #tpu.memory_space<vmem_shared>> -> memref<79x80xf32, #tpu.memory_space<vmem_shared>>
        tpu.enqueue_dma source(%arg16 : memref<79x80xf32, #tpu.memory_space<vmem>>) target(%dma_start3A_74 : memref<79x80xf32, #tpu.memory_space<vmem_shared>>) target_semaphore(%run_scoped3A : memref<!tpu.dma_semaphore, #tpu.memory_space<semaphore_mem>>)
        %dma_wait3A_75 = arith.constant 0 : i32
        %dma_wait3A_76 = tpu.memref_slice %arg15[%add3A_70, %dma_wait3A_75] : memref<10112x80xf32, #tpu.memory_space<vmem_shared>> -> memref<79x80xf32, #tpu.memory_space<vmem_shared>>
        %dma_wait3A_77 = arith.constant 0 : i32
        %dma_wait3A_78 = tpu.memref_slice %arg15[%add3A_70, %dma_wait3A_77] : memref<10112x80xf32, #tpu.memory_space<vmem_shared>> -> memref<79x80xf32, #tpu.memory_space<vmem_shared>>
        tpu.wait_dma2 semaphore(%run_scoped3A : memref<!tpu.dma_semaphore, #tpu.memory_space<semaphore_mem>>) src(%arg16 : memref<79x80xf32, #tpu.memory_space<vmem>>) dst(%dma_wait3A_78 : memref<79x80xf32, #tpu.memory_space<vmem_shared>>)
        tpu.yield
      }) : () -> ()
    }
    %scan3A_10 = arith.constant 8 : i32
    %barrier3A = arith.constant 0 : index
    tpu.barrier barrier_id(%barrier3A)
    %mul3A_11 = arith.constant 16 : i32
    %mul3A_12 = arith.muli %arg0, %mul3A_11 : i32
    %add3A = arith.addi %mul3A_12, %arg1 : i32
    %iota3A = tpu.iota {dimensions = array<i32: 0>} : vector<16xi32>
    %mul3A_13 = arith.constant 80 : i32
    %mul3A_14 = arith.muli %add3A, %mul3A_13 : i32
    "tpu.region"() ({
      %run_scoped3A = tpu.sem_alloc : memref<!tpu.dma_semaphore, #tpu.memory_space<semaphore_mem>>
      %dma_start3A_63 = arith.constant 0 : i32
      %dma_start3A_64 = tpu.memref_slice %arg4[%mul3A_14, %dma_start3A_63] : memref<2560x128xi32, #tpu.memory_space<hbm>> -> memref<80x128xi32, #tpu.memory_space<hbm>>
      %dma_start3A_65 = arith.constant 0 : i32
      %dma_start3A_66 = tpu.memref_slice %arg4[%mul3A_14, %dma_start3A_65] : memref<2560x128xi32, #tpu.memory_space<hbm>> -> memref<80x128xi32, #tpu.memory_space<hbm>>
      tpu.enqueue_dma source(%dma_start3A_66 : memref<80x128xi32, #tpu.memory_space<hbm>>) target(%arg7 : memref<80x128xi32, #tpu.memory_space<vmem>>) target_semaphore(%run_scoped3A : memref<!tpu.dma_semaphore, #tpu.memory_space<semaphore_mem>>)
      %dma_wait3A_67 = arith.constant 0 : i32
      %dma_wait3A_68 = tpu.memref_slice %arg4[%mul3A_14, %dma_wait3A_67] : memref<2560x128xi32, #tpu.memory_space<hbm>> -> memref<80x128xi32, #tpu.memory_space<hbm>>
      %dma_wait3A_69 = arith.constant 0 : i32
      %dma_wait3A_70 = tpu.memref_slice %arg4[%mul3A_14, %dma_wait3A_69] : memref<2560x128xi32, #tpu.memory_space<hbm>> -> memref<80x128xi32, #tpu.memory_space<hbm>>
      tpu.wait_dma2 semaphore(%run_scoped3A : memref<!tpu.dma_semaphore, #tpu.memory_space<semaphore_mem>>) src(%dma_wait3A_70 : memref<80x128xi32, #tpu.memory_space<hbm>>) dst(%arg7 : memref<80x128xi32, #tpu.memory_space<vmem>>)
      tpu.yield
    }) : () -> ()
    %mul3A_15 = arith.constant 80 : i32
    %mul3A_16 = arith.muli %add3A, %mul3A_15 : i32
    "tpu.region"() ({
      %run_scoped3A = tpu.sem_alloc : memref<!tpu.dma_semaphore, #tpu.memory_space<semaphore_mem>>
      %dma_start3A_63 = arith.constant 0 : i32
      %dma_start3A_64 = tpu.memref_slice %arg5[%mul3A_16, %dma_start3A_63] : memref<2560x128xi32, #tpu.memory_space<hbm>> -> memref<80x128xi32, #tpu.memory_space<hbm>>
      %dma_start3A_65 = arith.constant 0 : i32
      %dma_start3A_66 = tpu.memref_slice %arg5[%mul3A_16, %dma_start3A_65] : memref<2560x128xi32, #tpu.memory_space<hbm>> -> memref<80x128xi32, #tpu.memory_space<hbm>>
      tpu.enqueue_dma source(%dma_start3A_66 : memref<80x128xi32, #tpu.memory_space<hbm>>) target(%arg8 : memref<80x128xi32, #tpu.memory_space<vmem>>) target_semaphore(%run_scoped3A : memref<!tpu.dma_semaphore, #tpu.memory_space<semaphore_mem>>)
      %dma_wait3A_67 = arith.constant 0 : i32
      %dma_wait3A_68 = tpu.memref_slice %arg5[%mul3A_16, %dma_wait3A_67] : memref<2560x128xi32, #tpu.memory_space<hbm>> -> memref<80x128xi32, #tpu.memory_space<hbm>>
      %dma_wait3A_69 = arith.constant 0 : i32
      %dma_wait3A_70 = tpu.memref_slice %arg5[%mul3A_16, %dma_wait3A_69] : memref<2560x128xi32, #tpu.memory_space<hbm>> -> memref<80x128xi32, #tpu.memory_space<hbm>>
      tpu.wait_dma2 semaphore(%run_scoped3A : memref<!tpu.dma_semaphore, #tpu.memory_space<semaphore_mem>>) src(%dma_wait3A_70 : memref<80x128xi32, #tpu.memory_space<hbm>>) dst(%arg8 : memref<80x128xi32, #tpu.memory_space<vmem>>)
      tpu.yield
    }) : () -> ()
    %dma_start3A = arith.constant 0 : i32
    %dma_start3A_17 = arith.constant 0 : i32
    %dma_start3A_18 = tpu.memref_slice %arg7[%dma_start3A, %dma_start3A_17] : memref<80x128xi32, #tpu.memory_space<vmem>> -> memref<1x128xi32, #tpu.memory_space<vmem>>
    %dma_start3A_19 = tpu.memref_squeeze %dma_start3A_18 : memref<1x128xi32, #tpu.memory_space<vmem>> -> memref<128xi32, #tpu.memory_space<vmem>>
    %dma_start3A_20 = arith.constant 0 : i32
    %dma_start3A_21 = arith.constant 0 : i32
    %dma_start3A_22 = tpu.memref_slice %arg2[%dma_start3A_20, %dma_start3A_21] : memref<10000x96xbf16, #tpu.memory_space<hbm>> -> memref<10000x96xbf16, #tpu.memory_space<hbm>>
    tpu.enqueue_indirect_dma source(%dma_start3A_22 : memref<10000x96xbf16, #tpu.memory_space<hbm>>) target(%arg9 : memref<128x96xbf16, #tpu.memory_space<vmem>>) offsets(%dma_start3A_19 : memref<128xi32, #tpu.memory_space<vmem>>) semaphore(%arg17 : memref<!tpu.dma_semaphore, #tpu.memory_space<semaphore_mem>>)
    %dma_start3A_23 = arith.constant 0 : i32
    %dma_start3A_24 = arith.constant 0 : i32
    %dma_start3A_25 = tpu.memref_slice %arg8[%dma_start3A_23, %dma_start3A_24] : memref<80x128xi32, #tpu.memory_space<vmem>> -> memref<1x128xi32, #tpu.memory_space<vmem>>
    %dma_start3A_26 = tpu.memref_squeeze %dma_start3A_25 : memref<1x128xi32, #tpu.memory_space<vmem>> -> memref<128xi32, #tpu.memory_space<vmem>>
    %dma_start3A_27 = arith.constant 0 : i32
    %dma_start3A_28 = arith.constant 0 : i32
    %dma_start3A_29 = tpu.memref_slice %arg3[%dma_start3A_27, %dma_start3A_28] : memref<10112x16xf32, #tpu.memory_space<hbm>> -> memref<10112x16xf32, #tpu.memory_space<hbm>>
    tpu.enqueue_indirect_dma source(%dma_start3A_29 : memref<10112x16xf32, #tpu.memory_space<hbm>>) target(%arg11 : memref<128x16xf32, #tpu.memory_space<vmem>>) offsets(%dma_start3A_26 : memref<128xi32, #tpu.memory_space<vmem>>) semaphore(%arg19 : memref<!tpu.dma_semaphore, #tpu.memory_space<semaphore_mem>>)
    %dma_start3A_30 = arith.constant 1 : i32
    %dma_start3A_31 = arith.constant 0 : i32
    %dma_start3A_32 = tpu.memref_slice %arg7[%dma_start3A_30, %dma_start3A_31] : memref<80x128xi32, #tpu.memory_space<vmem>> -> memref<1x128xi32, #tpu.memory_space<vmem>>
    %dma_start3A_33 = tpu.memref_squeeze %dma_start3A_32 : memref<1x128xi32, #tpu.memory_space<vmem>> -> memref<128xi32, #tpu.memory_space<vmem>>
    %dma_start3A_34 = arith.constant 0 : i32
    %dma_start3A_35 = arith.constant 0 : i32
    %dma_start3A_36 = tpu.memref_slice %arg2[%dma_start3A_34, %dma_start3A_35] : memref<10000x96xbf16, #tpu.memory_space<hbm>> -> memref<10000x96xbf16, #tpu.memory_space<hbm>>
    tpu.enqueue_indirect_dma source(%dma_start3A_36 : memref<10000x96xbf16, #tpu.memory_space<hbm>>) target(%arg10 : memref<128x96xbf16, #tpu.memory_space<vmem>>) offsets(%dma_start3A_33 : memref<128xi32, #tpu.memory_space<vmem>>) semaphore(%arg18 : memref<!tpu.dma_semaphore, #tpu.memory_space<semaphore_mem>>)
    %dma_start3A_37 = arith.constant 1 : i32
    %dma_start3A_38 = arith.constant 0 : i32
    %dma_start3A_39 = tpu.memref_slice %arg8[%dma_start3A_37, %dma_start3A_38] : memref<80x128xi32, #tpu.memory_space<vmem>> -> memref<1x128xi32, #tpu.memory_space<vmem>>
    %dma_start3A_40 = tpu.memref_squeeze %dma_start3A_39 : memref<1x128xi32, #tpu.memory_space<vmem>> -> memref<128xi32, #tpu.memory_space<vmem>>
    %dma_start3A_41 = arith.constant 0 : i32
    %dma_start3A_42 = arith.constant 0 : i32
    %dma_start3A_43 = tpu.memref_slice %arg3[%dma_start3A_41, %dma_start3A_42] : memref<10112x16xf32, #tpu.memory_space<hbm>> -> memref<10112x16xf32, #tpu.memory_space<hbm>>
    tpu.enqueue_indirect_dma source(%dma_start3A_43 : memref<10112x16xf32, #tpu.memory_space<hbm>>) target(%arg12 : memref<128x16xf32, #tpu.memory_space<vmem>>) offsets(%dma_start3A_40 : memref<128xi32, #tpu.memory_space<vmem>>) semaphore(%arg20 : memref<!tpu.dma_semaphore, #tpu.memory_space<semaphore_mem>>)
    %scan3A_44 = arith.constant 0 : i32
    %scan3A_45 = arith.constant 40 : i32
    %scan3A_46 = arith.addi %scan3A_44, %scan3A_45 : i32
    %scan3A_47 = arith.constant 1 : i32
    scf.for %scan3A_63 = %scan3A_44 to %scan3A_46 step %scan3A_47  : i32 {
      %mul3A_64 = arith.constant 2 : i32
      %mul3A_65 = arith.muli %scan3A_63, %mul3A_64 : i32
      %add3A_66 = arith.constant 0 : i32
      %add3A_67 = arith.addi %add3A_66, %mul3A_65 : i32
      %add3A_68 = arith.constant 0 : i32
      %add3A_69 = arith.addi %add3A_67, %add3A_68 : i32
      %dma_wait3A_70 = arith.constant 0 : i32
      %dma_wait3A_71 = tpu.memref_slice %arg7[%add3A_69, %dma_wait3A_70] : memref<80x128xi32, #tpu.memory_space<vmem>> -> memref<1x128xi32, #tpu.memory_space<vmem>>
      %dma_wait3A_72 = tpu.memref_squeeze %dma_wait3A_71 : memref<1x128xi32, #tpu.memory_space<vmem>> -> memref<128xi32, #tpu.memory_space<vmem>>
      %dma_wait3A_73 = arith.constant 0 : i32
      %dma_wait3A_74 = arith.constant 0 : i32
      %dma_wait3A_75 = tpu.memref_slice %arg2[%dma_wait3A_73, %dma_wait3A_74] : memref<10000x96xbf16, #tpu.memory_space<hbm>> -> memref<10000x96xbf16, #tpu.memory_space<hbm>>
      tpu.wait_indirect_dma semaphore(%arg17 : memref<!tpu.dma_semaphore, #tpu.memory_space<semaphore_mem>>) src(%dma_wait3A_75 : memref<10000x96xbf16, #tpu.memory_space<hbm>>) dst(%arg9 : memref<128x96xbf16, #tpu.memory_space<vmem>>)
      %dma_wait3A_76 = arith.constant 0 : i32
      %dma_wait3A_77 = tpu.memref_slice %arg8[%add3A_69, %dma_wait3A_76] : memref<80x128xi32, #tpu.memory_space<vmem>> -> memref<1x128xi32, #tpu.memory_space<vmem>>
      %dma_wait3A_78 = tpu.memref_squeeze %dma_wait3A_77 : memref<1x128xi32, #tpu.memory_space<vmem>> -> memref<128xi32, #tpu.memory_space<vmem>>
      %dma_wait3A_79 = arith.constant 0 : i32
      %dma_wait3A_80 = arith.constant 0 : i32
      %dma_wait3A_81 = tpu.memref_slice %arg3[%dma_wait3A_79, %dma_wait3A_80] : memref<10112x16xf32, #tpu.memory_space<hbm>> -> memref<10112x16xf32, #tpu.memory_space<hbm>>
      tpu.wait_indirect_dma semaphore(%arg19 : memref<!tpu.dma_semaphore, #tpu.memory_space<semaphore_mem>>) src(%dma_wait3A_81 : memref<10112x16xf32, #tpu.memory_space<hbm>>) dst(%arg11 : memref<128x16xf32, #tpu.memory_space<vmem>>)
      %ge3A = arith.constant 2 : i32
      %ge3A_82 = arith.cmpi sge, %add3A_67, %ge3A : i32
      %convert_element_type3A = arith.extui %ge3A_82 : i1 to i32
      %cond3A = arith.constant 0 : i32
      %cond3A_83 = arith.cmpi ne, %convert_element_type3A, %cond3A : i32
      scf.if %cond3A_83 {
        %sub3A = arith.constant 2 : i32
        %sub3A_138 = arith.subi %add3A_69, %sub3A : i32
        %dma_wait3A_139 = arith.constant 0 : i32
        %dma_wait3A_140 = tpu.memref_slice %arg8[%sub3A_138, %dma_wait3A_139] : memref<80x128xi32, #tpu.memory_space<vmem>> -> memref<1x128xi32, #tpu.memory_space<vmem>>
        %dma_wait3A_141 = tpu.memref_squeeze %dma_wait3A_140 : memref<1x128xi32, #tpu.memory_space<vmem>> -> memref<128xi32, #tpu.memory_space<vmem>>
        %dma_wait3A_142 = arith.constant 0 : i32
        %dma_wait3A_143 = arith.constant 0 : i32
        %dma_wait3A_144 = tpu.memref_slice %arg15[%dma_wait3A_142, %dma_wait3A_143] : memref<10112x80xf32, #tpu.memory_space<vmem_shared>> -> memref<10112x80xf32, #tpu.memory_space<vmem_shared>>
        tpu.wait_indirect_dma semaphore(%arg21 : memref<!tpu.dma_semaphore, #tpu.memory_space<semaphore_mem>>) src(%arg13 : memref<128x80xf32, #tpu.memory_space<vmem>>) dst(%dma_wait3A_144 : memref<10112x80xf32, #tpu.memory_space<vmem_shared>>)
      } else {
      }
      %scan3A_84 = arith.constant 0 : i32
      %scan3A_85 = arith.constant 128 : i32
      %scan3A_86 = arith.addi %scan3A_84, %scan3A_85 : i32
      %scan3A_87 = arith.constant 1 : i32
      scf.for %scan3A_138 = %scan3A_84 to %scan3A_86 step %scan3A_87  : i32 {
        %mul3A_139 = arith.constant 1 : i32
        %mul3A_140 = arith.muli %scan3A_138, %mul3A_139 : i32
        %add3A_141 = arith.constant 0 : i32
        %add3A_142 = arith.addi %add3A_141, %mul3A_140 : i32
        %get3A = arith.index_cast %add3A_142 : i32 to index
        %get3A_143 = arith.constant 0 : index
        %get3A_144 = tpu.vector_load %arg11[%get3A, %get3A_143] {strides = array<i32>} : memref<128x16xf32, #tpu.memory_space<vmem>>, vector<16xf32>,
        %broadcast_in_dim3A_145 = vector.broadcast %add3A_142 : i32 to vector<16xi32>
        %get3A_146 = arith.index_cast %add3A_142 : i32 to index
        %get3A_147 = arith.constant 64 : index
        %get3A_148 = tpu.vector_load %arg9[%get3A_146, %get3A_147] {strides = array<i32>} : memref<128x96xbf16, #tpu.memory_space<vmem>>, vector<32xbf16>,
        %unpack3A = tpu.unpack_subelements %get3A_148, 0 {pack_format = #tpu.pack_format<interleaved>} : vector<32xbf16> -> vector<16xf32>
        %unpack3A_149 = tpu.unpack_subelements %get3A_148, 1 {pack_format = #tpu.pack_format<interleaved>} : vector<32xbf16> -> vector<16xf32>
        %add3A_150 = arith.addf %unpack3A, %get3A_144 : vector<16xf32>
        %ge3A_151 = arith.constant 0.000000e+00 : f32
        %ge3A_152 = vector.broadcast %ge3A_151 : f32 to vector<16xf32>
        %ge3A_153 = arith.cmpf oge, %add3A_150, %ge3A_152 : vector<16xf32>
        %mul3A_154 = arith.constant 2.000000e-01 : f32
        %mul3A_155 = vector.broadcast %mul3A_154 : f32 to vector<16xf32>
        %mul3A_156 = arith.mulf %mul3A_155, %add3A_150 : vector<16xf32>
        %select_n3A = arith.select %ge3A_153, %add3A_150, %mul3A_156 : vector<16xi1>, vector<16xf32>
        %exp3A = math.exp %select_n3A : vector<16xf32>
        %swap3A = arith.index_cast %add3A_142 : i32 to index
        %swap3A_157 = arith.constant 64 : index
        %swap3A_158 = tpu.vector_load %arg13[%swap3A, %swap3A_157] {strides = array<i32>} : memref<128x80xf32, #tpu.memory_space<vmem>>, vector<16xf32>,
        tpu.vector_store %arg13[%swap3A, %swap3A_157], %exp3A {strides = array<i32>} : memref<128x80xf32, #tpu.memory_space<vmem>>, vector<16xf32>,
        %ge3A_159 = arith.constant 8 : i32
        %ge3A_160 = vector.broadcast %ge3A_159 : i32 to vector<16xi32>
        %ge3A_161 = arith.cmpi sge, %iota3A, %ge3A_160 : vector<16xi32>
        %jit3A = arith.constant 1 : i32
        %jit3A_162 = arith.constant 0 : i32
        %broadcast_in_dim3A_163 = vector.broadcast %jit3A : i32 to vector<16xi32>
        %broadcast_in_dim3A_164 = vector.broadcast %jit3A_162 : i32 to vector<16xi32>
        %select_n3A_165 = arith.select %ge3A_161, %broadcast_in_dim3A_163, %broadcast_in_dim3A_164 : vector<16xi1>, vector<16xi32>
        %get3A_166 = arith.index_cast %add3A_142 : i32 to index
        %get3A_167 = arith.constant 0 : index
        %get3A_168 = tpu.vector_load %arg9[%get3A_166, %get3A_167] {strides = array<i32>} : memref<128x96xbf16, #tpu.memory_space<vmem>>, vector<32xbf16>,
        %unpack3A_169 = tpu.unpack_subelements %get3A_168, 0 {pack_format = #tpu.pack_format<interleaved>} : vector<32xbf16> -> vector<16xf32>
        %unpack3A_170 = tpu.unpack_subelements %get3A_168, 1 {pack_format = #tpu.pack_format<interleaved>} : vector<32xbf16> -> vector<16xf32>
        %get3A_171 = arith.index_cast %add3A_142 : i32 to index
        %get3A_172 = arith.constant 32 : index
        %get3A_173 = tpu.vector_load %arg9[%get3A_171, %get3A_172] {strides = array<i32>} : memref<128x96xbf16, #tpu.memory_space<vmem>>, vector<32xbf16>,
        %unpack3A_174 = tpu.unpack_subelements %get3A_173, 0 {pack_format = #tpu.pack_format<interleaved>} : vector<32xbf16> -> vector<16xf32>
        %unpack3A_175 = tpu.unpack_subelements %get3A_173, 1 {pack_format = #tpu.pack_format<interleaved>} : vector<32xbf16> -> vector<16xf32>
        %add3A_176 = arith.constant 64 : i32
        %add3A_177 = vector.broadcast %add3A_176 : i32 to vector<16xi32>
        %add3A_178 = arith.addi %select_n3A_165, %add3A_177 : vector<16xi32>
        %gather3A = tpu.vector_load_idx %arg13[%broadcast_in_dim3A_145, %add3A_178] : memref<128x80xf32, #tpu.memory_space<vmem>>[vector<16xi32>, vector<16xi32>], vector<16xf32>,
        %mul3A_179 = arith.mulf %gather3A, %unpack3A_169 : vector<16xf32>
        %swap3A_180 = arith.index_cast %add3A_142 : i32 to index
        %swap3A_181 = arith.constant 0 : index
        %swap3A_182 = tpu.vector_load %arg13[%swap3A_180, %swap3A_181] {strides = array<i32>} : memref<128x80xf32, #tpu.memory_space<vmem>>, vector<16xf32>,
        tpu.vector_store %arg13[%swap3A_180, %swap3A_181], %mul3A_179 {strides = array<i32>} : memref<128x80xf32, #tpu.memory_space<vmem>>, vector<16xf32>,
        %add3A_183 = arith.constant 66 : i32
        %add3A_184 = vector.broadcast %add3A_183 : i32 to vector<16xi32>
        %add3A_185 = arith.addi %select_n3A_165, %add3A_184 : vector<16xi32>
        %gather3A_186 = tpu.vector_load_idx %arg13[%broadcast_in_dim3A_145, %add3A_185] : memref<128x80xf32, #tpu.memory_space<vmem>>[vector<16xi32>, vector<16xi32>], vector<16xf32>,
        %mul3A_187 = arith.mulf %gather3A_186, %unpack3A_170 : vector<16xf32>
        %swap3A_188 = arith.index_cast %add3A_142 : i32 to index
        %swap3A_189 = arith.constant 16 : index
        %swap3A_190 = tpu.vector_load %arg13[%swap3A_188, %swap3A_189] {strides = array<i32>} : memref<128x80xf32, #tpu.memory_space<vmem>>, vector<16xf32>,
        tpu.vector_store %arg13[%swap3A_188, %swap3A_189], %mul3A_187 {strides = array<i32>} : memref<128x80xf32, #tpu.memory_space<vmem>>, vector<16xf32>,
        %add3A_191 = arith.constant 68 : i32
        %add3A_192 = vector.broadcast %add3A_191 : i32 to vector<16xi32>
        %add3A_193 = arith.addi %select_n3A_165, %add3A_192 : vector<16xi32>
        %gather3A_194 = tpu.vector_load_idx %arg13[%broadcast_in_dim3A_145, %add3A_193] : memref<128x80xf32, #tpu.memory_space<vmem>>[vector<16xi32>, vector<16xi32>], vector<16xf32>,
        %mul3A_195 = arith.mulf %gather3A_194, %unpack3A_174 : vector<16xf32>
        %swap3A_196 = arith.index_cast %add3A_142 : i32 to index
        %swap3A_197 = arith.constant 32 : index
        %swap3A_198 = tpu.vector_load %arg13[%swap3A_196, %swap3A_197] {strides = array<i32>} : memref<128x80xf32, #tpu.memory_space<vmem>>, vector<16xf32>,
        tpu.vector_store %arg13[%swap3A_196, %swap3A_197], %mul3A_195 {strides = array<i32>} : memref<128x80xf32, #tpu.memory_space<vmem>>, vector<16xf32>,
        %add3A_199 = arith.constant 70 : i32
        %add3A_200 = vector.broadcast %add3A_199 : i32 to vector<16xi32>
        %add3A_201 = arith.addi %select_n3A_165, %add3A_200 : vector<16xi32>
        %gather3A_202 = tpu.vector_load_idx %arg13[%broadcast_in_dim3A_145, %add3A_201] : memref<128x80xf32, #tpu.memory_space<vmem>>[vector<16xi32>, vector<16xi32>], vector<16xf32>,
        %mul3A_203 = arith.mulf %gather3A_202, %unpack3A_175 : vector<16xf32>
        %swap3A_204 = arith.index_cast %add3A_142 : i32 to index
        %swap3A_205 = arith.constant 48 : index
        %swap3A_206 = tpu.vector_load %arg13[%swap3A_204, %swap3A_205] {strides = array<i32>} : memref<128x80xf32, #tpu.memory_space<vmem>>, vector<16xf32>,
        tpu.vector_store %arg13[%swap3A_204, %swap3A_205], %mul3A_203 {strides = array<i32>} : memref<128x80xf32, #tpu.memory_space<vmem>>, vector<16xf32>,
      }
      %scan3A_88 = arith.constant 128 : i32
      %dma_start3A_89 = arith.constant 0 : i32
      %dma_start3A_90 = tpu.memref_slice %arg8[%add3A_69, %dma_start3A_89] : memref<80x128xi32, #tpu.memory_space<vmem>> -> memref<1x128xi32, #tpu.memory_space<vmem>>
      %dma_start3A_91 = tpu.memref_squeeze %dma_start3A_90 : memref<1x128xi32, #tpu.memory_space<vmem>> -> memref<128xi32, #tpu.memory_space<vmem>>
      %dma_start3A_92 = arith.constant 0 : i32
      %dma_start3A_93 = arith.constant 0 : i32
      %dma_start3A_94 = tpu.memref_slice %arg15[%dma_start3A_92, %dma_start3A_93] : memref<10112x80xf32, #tpu.memory_space<vmem_shared>> -> memref<10112x80xf32, #tpu.memory_space<vmem_shared>>
      tpu.enqueue_indirect_dma source(%arg13 : memref<128x80xf32, #tpu.memory_space<vmem>>) target(%dma_start3A_94 : memref<10112x80xf32, #tpu.memory_space<vmem_shared>>) offsets(%dma_start3A_91 : memref<128xi32, #tpu.memory_space<vmem>>) semaphore(%arg21 : memref<!tpu.dma_semaphore, #tpu.memory_space<semaphore_mem>>) {add = true}
      %add3A_95 = arith.constant 2 : i32
      %add3A_96 = arith.addi %add3A_69, %add3A_95 : i32
      %lt3A = arith.constant 80 : i32
      %lt3A_97 = arith.cmpi slt, %add3A_96, %lt3A : i32
      %convert_element_type3A_98 = arith.extui %lt3A_97 : i1 to i32
      %cond3A_99 = arith.constant 0 : i32
      %cond3A_100 = arith.cmpi ne, %convert_element_type3A_98, %cond3A_99 : i32
      scf.if %cond3A_100 {
        %add3A_138 = arith.constant 2 : i32
        %add3A_139 = arith.addi %add3A_69, %add3A_138 : i32
        %dma_start3A_140 = arith.constant 0 : i32
        %dma_start3A_141 = tpu.memref_slice %arg7[%add3A_139, %dma_start3A_140] : memref<80x128xi32, #tpu.memory_space<vmem>> -> memref<1x128xi32, #tpu.memory_space<vmem>>
        %dma_start3A_142 = tpu.memref_squeeze %dma_start3A_141 : memref<1x128xi32, #tpu.memory_space<vmem>> -> memref<128xi32, #tpu.memory_space<vmem>>
        %dma_start3A_143 = arith.constant 0 : i32
        %dma_start3A_144 = arith.constant 0 : i32
        %dma_start3A_145 = tpu.memref_slice %arg2[%dma_start3A_143, %dma_start3A_144] : memref<10000x96xbf16, #tpu.memory_space<hbm>> -> memref<10000x96xbf16, #tpu.memory_space<hbm>>
        tpu.enqueue_indirect_dma source(%dma_start3A_145 : memref<10000x96xbf16, #tpu.memory_space<hbm>>) target(%arg9 : memref<128x96xbf16, #tpu.memory_space<vmem>>) offsets(%dma_start3A_142 : memref<128xi32, #tpu.memory_space<vmem>>) semaphore(%arg17 : memref<!tpu.dma_semaphore, #tpu.memory_space<semaphore_mem>>)
        %dma_start3A_146 = arith.constant 0 : i32
        %dma_start3A_147 = tpu.memref_slice %arg8[%add3A_139, %dma_start3A_146] : memref<80x128xi32, #tpu.memory_space<vmem>> -> memref<1x128xi32, #tpu.memory_space<vmem>>
        %dma_start3A_148 = tpu.memref_squeeze %dma_start3A_147 : memref<1x128xi32, #tpu.memory_space<vmem>> -> memref<128xi32, #tpu.memory_space<vmem>>
        %dma_start3A_149 = arith.constant 0 : i32
        %dma_start3A_150 = arith.constant 0 : i32
        %dma_start3A_151 = tpu.memref_slice %arg3[%dma_start3A_149, %dma_start3A_150] : memref<10112x16xf32, #tpu.memory_space<hbm>> -> memref<10112x16xf32, #tpu.memory_space<hbm>>
        tpu.enqueue_indirect_dma source(%dma_start3A_151 : memref<10112x16xf32, #tpu.memory_space<hbm>>) target(%arg11 : memref<128x16xf32, #tpu.memory_space<vmem>>) offsets(%dma_start3A_148 : memref<128xi32, #tpu.memory_space<vmem>>) semaphore(%arg19 : memref<!tpu.dma_semaphore, #tpu.memory_space<semaphore_mem>>)
      } else {
      }
      %add3A_101 = arith.constant 1 : i32
      %add3A_102 = arith.addi %add3A_67, %add3A_101 : i32
      %dma_wait3A_103 = arith.constant 0 : i32
      %dma_wait3A_104 = tpu.memref_slice %arg7[%add3A_102, %dma_wait3A_103] : memref<80x128xi32, #tpu.memory_space<vmem>> -> memref<1x128xi32, #tpu.memory_space<vmem>>
      %dma_wait3A_105 = tpu.memref_squeeze %dma_wait3A_104 : memref<1x128xi32, #tpu.memory_space<vmem>> -> memref<128xi32, #tpu.memory_space<vmem>>
      %dma_wait3A_106 = arith.constant 0 : i32
      %dma_wait3A_107 = arith.constant 0 : i32
      %dma_wait3A_108 = tpu.memref_slice %arg2[%dma_wait3A_106, %dma_wait3A_107] : memref<10000x96xbf16, #tpu.memory_space<hbm>> -> memref<10000x96xbf16, #tpu.memory_space<hbm>>
      tpu.wait_indirect_dma semaphore(%arg18 : memref<!tpu.dma_semaphore, #tpu.memory_space<semaphore_mem>>) src(%dma_wait3A_108 : memref<10000x96xbf16, #tpu.memory_space<hbm>>) dst(%arg10 : memref<128x96xbf16, #tpu.memory_space<vmem>>)
      %dma_wait3A_109 = arith.constant 0 : i32
      %dma_wait3A_110 = tpu.memref_slice %arg8[%add3A_102, %dma_wait3A_109] : memref<80x128xi32, #tpu.memory_space<vmem>> -> memref<1x128xi32, #tpu.memory_space<vmem>>
      %dma_wait3A_111 = tpu.memref_squeeze %dma_wait3A_110 : memref<1x128xi32, #tpu.memory_space<vmem>> -> memref<128xi32, #tpu.memory_space<vmem>>
      %dma_wait3A_112 = arith.constant 0 : i32
      %dma_wait3A_113 = arith.constant 0 : i32
      %dma_wait3A_114 = tpu.memref_slice %arg3[%dma_wait3A_112, %dma_wait3A_113] : memref<10112x16xf32, #tpu.memory_space<hbm>> -> memref<10112x16xf32, #tpu.memory_space<hbm>>
      tpu.wait_indirect_dma semaphore(%arg20 : memref<!tpu.dma_semaphore, #tpu.memory_space<semaphore_mem>>) src(%dma_wait3A_114 : memref<10112x16xf32, #tpu.memory_space<hbm>>) dst(%arg12 : memref<128x16xf32, #tpu.memory_space<vmem>>)
      %ge3A_115 = arith.constant 2 : i32
      %ge3A_116 = arith.cmpi sge, %add3A_67, %ge3A_115 : i32
      %convert_element_type3A_117 = arith.extui %ge3A_116 : i1 to i32
      %cond3A_118 = arith.constant 0 : i32
      %cond3A_119 = arith.cmpi ne, %convert_element_type3A_117, %cond3A_118 : i32
      scf.if %cond3A_119 {
        %sub3A = arith.constant 2 : i32
        %sub3A_138 = arith.subi %add3A_102, %sub3A : i32
        %dma_wait3A_139 = arith.constant 0 : i32
        %dma_wait3A_140 = tpu.memref_slice %arg8[%sub3A_138, %dma_wait3A_139] : memref<80x128xi32, #tpu.memory_space<vmem>> -> memref<1x128xi32, #tpu.memory_space<vmem>>
        %dma_wait3A_141 = tpu.memref_squeeze %dma_wait3A_140 : memref<1x128xi32, #tpu.memory_space<vmem>> -> memref<128xi32, #tpu.memory_space<vmem>>
        %dma_wait3A_142 = arith.constant 0 : i32
        %dma_wait3A_143 = arith.constant 0 : i32
        %dma_wait3A_144 = tpu.memref_slice %arg15[%dma_wait3A_142, %dma_wait3A_143] : memref<10112x80xf32, #tpu.memory_space<vmem_shared>> -> memref<10112x80xf32, #tpu.memory_space<vmem_shared>>
        tpu.wait_indirect_dma semaphore(%arg22 : memref<!tpu.dma_semaphore, #tpu.memory_space<semaphore_mem>>) src(%arg14 : memref<128x80xf32, #tpu.memory_space<vmem>>) dst(%dma_wait3A_144 : memref<10112x80xf32, #tpu.memory_space<vmem_shared>>)
      } else {
      }
      %scan3A_120 = arith.constant 0 : i32
      %scan3A_121 = arith.constant 128 : i32
      %scan3A_122 = arith.addi %scan3A_120, %scan3A_121 : i32
      %scan3A_123 = arith.constant 1 : i32
      scf.for %scan3A_138 = %scan3A_120 to %scan3A_122 step %scan3A_123  : i32 {
        %mul3A_139 = arith.constant 1 : i32
        %mul3A_140 = arith.muli %scan3A_138, %mul3A_139 : i32
        %add3A_141 = arith.constant 0 : i32
        %add3A_142 = arith.addi %add3A_141, %mul3A_140 : i32
        %get3A = arith.index_cast %add3A_142 : i32 to index
        %get3A_143 = arith.constant 0 : index
        %get3A_144 = tpu.vector_load %arg12[%get3A, %get3A_143] {strides = array<i32>} : memref<128x16xf32, #tpu.memory_space<vmem>>, vector<16xf32>,
        %broadcast_in_dim3A_145 = vector.broadcast %add3A_142 : i32 to vector<16xi32>
        %get3A_146 = arith.index_cast %add3A_142 : i32 to index
        %get3A_147 = arith.constant 64 : index
        %get3A_148 = tpu.vector_load %arg10[%get3A_146, %get3A_147] {strides = array<i32>} : memref<128x96xbf16, #tpu.memory_space<vmem>>, vector<32xbf16>,
        %unpack3A = tpu.unpack_subelements %get3A_148, 0 {pack_format = #tpu.pack_format<interleaved>} : vector<32xbf16> -> vector<16xf32>
        %unpack3A_149 = tpu.unpack_subelements %get3A_148, 1 {pack_format = #tpu.pack_format<interleaved>} : vector<32xbf16> -> vector<16xf32>
        %add3A_150 = arith.addf %unpack3A, %get3A_144 : vector<16xf32>
        %ge3A_151 = arith.constant 0.000000e+00 : f32
        %ge3A_152 = vector.broadcast %ge3A_151 : f32 to vector<16xf32>
        %ge3A_153 = arith.cmpf oge, %add3A_150, %ge3A_152 : vector<16xf32>
        %mul3A_154 = arith.constant 2.000000e-01 : f32
        %mul3A_155 = vector.broadcast %mul3A_154 : f32 to vector<16xf32>
        %mul3A_156 = arith.mulf %mul3A_155, %add3A_150 : vector<16xf32>
        %select_n3A = arith.select %ge3A_153, %add3A_150, %mul3A_156 : vector<16xi1>, vector<16xf32>
        %exp3A = math.exp %select_n3A : vector<16xf32>
        %swap3A = arith.index_cast %add3A_142 : i32 to index
        %swap3A_157 = arith.constant 64 : index
        %swap3A_158 = tpu.vector_load %arg14[%swap3A, %swap3A_157] {strides = array<i32>} : memref<128x80xf32, #tpu.memory_space<vmem>>, vector<16xf32>,
        tpu.vector_store %arg14[%swap3A, %swap3A_157], %exp3A {strides = array<i32>} : memref<128x80xf32, #tpu.memory_space<vmem>>, vector<16xf32>,
        %ge3A_159 = arith.constant 8 : i32
        %ge3A_160 = vector.broadcast %ge3A_159 : i32 to vector<16xi32>
        %ge3A_161 = arith.cmpi sge, %iota3A, %ge3A_160 : vector<16xi32>
        %jit3A = arith.constant 1 : i32
        %jit3A_162 = arith.constant 0 : i32
        %broadcast_in_dim3A_163 = vector.broadcast %jit3A : i32 to vector<16xi32>
        %broadcast_in_dim3A_164 = vector.broadcast %jit3A_162 : i32 to vector<16xi32>
        %select_n3A_165 = arith.select %ge3A_161, %broadcast_in_dim3A_163, %broadcast_in_dim3A_164 : vector<16xi1>, vector<16xi32>
        %get3A_166 = arith.index_cast %add3A_142 : i32 to index
        %get3A_167 = arith.constant 0 : index
        %get3A_168 = tpu.vector_load %arg10[%get3A_166, %get3A_167] {strides = array<i32>} : memref<128x96xbf16, #tpu.memory_space<vmem>>, vector<32xbf16>,
        %unpack3A_169 = tpu.unpack_subelements %get3A_168, 0 {pack_format = #tpu.pack_format<interleaved>} : vector<32xbf16> -> vector<16xf32>
        %unpack3A_170 = tpu.unpack_subelements %get3A_168, 1 {pack_format = #tpu.pack_format<interleaved>} : vector<32xbf16> -> vector<16xf32>
        %get3A_171 = arith.index_cast %add3A_142 : i32 to index
        %get3A_172 = arith.constant 32 : index
        %get3A_173 = tpu.vector_load %arg10[%get3A_171, %get3A_172] {strides = array<i32>} : memref<128x96xbf16, #tpu.memory_space<vmem>>, vector<32xbf16>,
        %unpack3A_174 = tpu.unpack_subelements %get3A_173, 0 {pack_format = #tpu.pack_format<interleaved>} : vector<32xbf16> -> vector<16xf32>
        %unpack3A_175 = tpu.unpack_subelements %get3A_173, 1 {pack_format = #tpu.pack_format<interleaved>} : vector<32xbf16> -> vector<16xf32>
        %add3A_176 = arith.constant 64 : i32
        %add3A_177 = vector.broadcast %add3A_176 : i32 to vector<16xi32>
        %add3A_178 = arith.addi %select_n3A_165, %add3A_177 : vector<16xi32>
        %gather3A = tpu.vector_load_idx %arg14[%broadcast_in_dim3A_145, %add3A_178] : memref<128x80xf32, #tpu.memory_space<vmem>>[vector<16xi32>, vector<16xi32>], vector<16xf32>,
        %mul3A_179 = arith.mulf %gather3A, %unpack3A_169 : vector<16xf32>
        %swap3A_180 = arith.index_cast %add3A_142 : i32 to index
        %swap3A_181 = arith.constant 0 : index
        %swap3A_182 = tpu.vector_load %arg14[%swap3A_180, %swap3A_181] {strides = array<i32>} : memref<128x80xf32, #tpu.memory_space<vmem>>, vector<16xf32>,
        tpu.vector_store %arg14[%swap3A_180, %swap3A_181], %mul3A_179 {strides = array<i32>} : memref<128x80xf32, #tpu.memory_space<vmem>>, vector<16xf32>,
        %add3A_183 = arith.constant 66 : i32
        %add3A_184 = vector.broadcast %add3A_183 : i32 to vector<16xi32>
        %add3A_185 = arith.addi %select_n3A_165, %add3A_184 : vector<16xi32>
        %gather3A_186 = tpu.vector_load_idx %arg14[%broadcast_in_dim3A_145, %add3A_185] : memref<128x80xf32, #tpu.memory_space<vmem>>[vector<16xi32>, vector<16xi32>], vector<16xf32>,
        %mul3A_187 = arith.mulf %gather3A_186, %unpack3A_170 : vector<16xf32>
        %swap3A_188 = arith.index_cast %add3A_142 : i32 to index
        %swap3A_189 = arith.constant 16 : index
        %swap3A_190 = tpu.vector_load %arg14[%swap3A_188, %swap3A_189] {strides = array<i32>} : memref<128x80xf32, #tpu.memory_space<vmem>>, vector<16xf32>,
        tpu.vector_store %arg14[%swap3A_188, %swap3A_189], %mul3A_187 {strides = array<i32>} : memref<128x80xf32, #tpu.memory_space<vmem>>, vector<16xf32>,
        %add3A_191 = arith.constant 68 : i32
        %add3A_192 = vector.broadcast %add3A_191 : i32 to vector<16xi32>
        %add3A_193 = arith.addi %select_n3A_165, %add3A_192 : vector<16xi32>
        %gather3A_194 = tpu.vector_load_idx %arg14[%broadcast_in_dim3A_145, %add3A_193] : memref<128x80xf32, #tpu.memory_space<vmem>>[vector<16xi32>, vector<16xi32>], vector<16xf32>,
        %mul3A_195 = arith.mulf %gather3A_194, %unpack3A_174 : vector<16xf32>
        %swap3A_196 = arith.index_cast %add3A_142 : i32 to index
        %swap3A_197 = arith.constant 32 : index
        %swap3A_198 = tpu.vector_load %arg14[%swap3A_196, %swap3A_197] {strides = array<i32>} : memref<128x80xf32, #tpu.memory_space<vmem>>, vector<16xf32>,
        tpu.vector_store %arg14[%swap3A_196, %swap3A_197], %mul3A_195 {strides = array<i32>} : memref<128x80xf32, #tpu.memory_space<vmem>>, vector<16xf32>,
        %add3A_199 = arith.constant 70 : i32
        %add3A_200 = vector.broadcast %add3A_199 : i32 to vector<16xi32>
        %add3A_201 = arith.addi %select_n3A_165, %add3A_200 : vector<16xi32>
        %gather3A_202 = tpu.vector_load_idx %arg14[%broadcast_in_dim3A_145, %add3A_201] : memref<128x80xf32, #tpu.memory_space<vmem>>[vector<16xi32>, vector<16xi32>], vector<16xf32>,
        %mul3A_203 = arith.mulf %gather3A_202, %unpack3A_175 : vector<16xf32>
        %swap3A_204 = arith.index_cast %add3A_142 : i32 to index
        %swap3A_205 = arith.constant 48 : index
        %swap3A_206 = tpu.vector_load %arg14[%swap3A_204, %swap3A_205] {strides = array<i32>} : memref<128x80xf32, #tpu.memory_space<vmem>>, vector<16xf32>,
        tpu.vector_store %arg14[%swap3A_204, %swap3A_205], %mul3A_203 {strides = array<i32>} : memref<128x80xf32, #tpu.memory_space<vmem>>, vector<16xf32>,
      }
      %scan3A_124 = arith.constant 128 : i32
      %dma_start3A_125 = arith.constant 0 : i32
      %dma_start3A_126 = tpu.memref_slice %arg8[%add3A_102, %dma_start3A_125] : memref<80x128xi32, #tpu.memory_space<vmem>> -> memref<1x128xi32, #tpu.memory_space<vmem>>
      %dma_start3A_127 = tpu.memref_squeeze %dma_start3A_126 : memref<1x128xi32, #tpu.memory_space<vmem>> -> memref<128xi32, #tpu.memory_space<vmem>>
      %dma_start3A_128 = arith.constant 0 : i32
      %dma_start3A_129 = arith.constant 0 : i32
      %dma_start3A_130 = tpu.memref_slice %arg15[%dma_start3A_128, %dma_start3A_129] : memref<10112x80xf32, #tpu.memory_space<vmem_shared>> -> memref<10112x80xf32, #tpu.memory_space<vmem_shared>>
      tpu.enqueue_indirect_dma source(%arg14 : memref<128x80xf32, #tpu.memory_space<vmem>>) target(%dma_start3A_130 : memref<10112x80xf32, #tpu.memory_space<vmem_shared>>) offsets(%dma_start3A_127 : memref<128xi32, #tpu.memory_space<vmem>>) semaphore(%arg22 : memref<!tpu.dma_semaphore, #tpu.memory_space<semaphore_mem>>) {add = true}
      %add3A_131 = arith.constant 2 : i32
      %add3A_132 = arith.addi %add3A_102, %add3A_131 : i32
      %lt3A_133 = arith.constant 80 : i32
      %lt3A_134 = arith.cmpi slt, %add3A_132, %lt3A_133 : i32
      %convert_element_type3A_135 = arith.extui %lt3A_134 : i1 to i32
      %cond3A_136 = arith.constant 0 : i32
      %cond3A_137 = arith.cmpi ne, %convert_element_type3A_135, %cond3A_136 : i32
      scf.if %cond3A_137 {
        %add3A_138 = arith.constant 2 : i32
        %add3A_139 = arith.addi %add3A_102, %add3A_138 : i32
        %dma_start3A_140 = arith.constant 0 : i32
        %dma_start3A_141 = tpu.memref_slice %arg7[%add3A_139, %dma_start3A_140] : memref<80x128xi32, #tpu.memory_space<vmem>> -> memref<1x128xi32, #tpu.memory_space<vmem>>
        %dma_start3A_142 = tpu.memref_squeeze %dma_start3A_141 : memref<1x128xi32, #tpu.memory_space<vmem>> -> memref<128xi32, #tpu.memory_space<vmem>>
        %dma_start3A_143 = arith.constant 0 : i32
        %dma_start3A_144 = arith.constant 0 : i32
        %dma_start3A_145 = tpu.memref_slice %arg2[%dma_start3A_143, %dma_start3A_144] : memref<10000x96xbf16, #tpu.memory_space<hbm>> -> memref<10000x96xbf16, #tpu.memory_space<hbm>>
        tpu.enqueue_indirect_dma source(%dma_start3A_145 : memref<10000x96xbf16, #tpu.memory_space<hbm>>) target(%arg10 : memref<128x96xbf16, #tpu.memory_space<vmem>>) offsets(%dma_start3A_142 : memref<128xi32, #tpu.memory_space<vmem>>) semaphore(%arg18 : memref<!tpu.dma_semaphore, #tpu.memory_space<semaphore_mem>>)
        %dma_start3A_146 = arith.constant 0 : i32
        %dma_start3A_147 = tpu.memref_slice %arg8[%add3A_139, %dma_start3A_146] : memref<80x128xi32, #tpu.memory_space<vmem>> -> memref<1x128xi32, #tpu.memory_space<vmem>>
        %dma_start3A_148 = tpu.memref_squeeze %dma_start3A_147 : memref<1x128xi32, #tpu.memory_space<vmem>> -> memref<128xi32, #tpu.memory_space<vmem>>
        %dma_start3A_149 = arith.constant 0 : i32
        %dma_start3A_150 = arith.constant 0 : i32
        %dma_start3A_151 = tpu.memref_slice %arg3[%dma_start3A_149, %dma_start3A_150] : memref<10112x16xf32, #tpu.memory_space<hbm>> -> memref<10112x16xf32, #tpu.memory_space<hbm>>
        tpu.enqueue_indirect_dma source(%dma_start3A_151 : memref<10112x16xf32, #tpu.memory_space<hbm>>) target(%arg12 : memref<128x16xf32, #tpu.memory_space<vmem>>) offsets(%dma_start3A_148 : memref<128xi32, #tpu.memory_space<vmem>>) semaphore(%arg20 : memref<!tpu.dma_semaphore, #tpu.memory_space<semaphore_mem>>)
      } else {
      }
    }
    %scan3A_48 = arith.constant 40 : i32
    %dma_wait3A = arith.constant 78 : i32
    %dma_wait3A_49 = arith.constant 0 : i32
    %dma_wait3A_50 = tpu.memref_slice %arg8[%dma_wait3A, %dma_wait3A_49] : memref<80x128xi32, #tpu.memory_space<vmem>> -> memref<1x128xi32, #tpu.memory_space<vmem>>
    %dma_wait3A_51 = tpu.memref_squeeze %dma_wait3A_50 : memref<1x128xi32, #tpu.memory_space<vmem>> -> memref<128xi32, #tpu.memory_space<vmem>>
    %dma_wait3A_52 = arith.constant 0 : i32
    %dma_wait3A_53 = arith.constant 0 : i32
    %dma_wait3A_54 = tpu.memref_slice %arg15[%dma_wait3A_52, %dma_wait3A_53] : memref<10112x80xf32, #tpu.memory_space<vmem_shared>> -> memref<10112x80xf32, #tpu.memory_space<vmem_shared>>
    tpu.wait_indirect_dma semaphore(%arg21 : memref<!tpu.dma_semaphore, #tpu.memory_space<semaphore_mem>>) src(%arg13 : memref<128x80xf32, #tpu.memory_space<vmem>>) dst(%dma_wait3A_54 : memref<10112x80xf32, #tpu.memory_space<vmem_shared>>)
    %dma_wait3A_55 = arith.constant 79 : i32
    %dma_wait3A_56 = arith.constant 0 : i32
    %dma_wait3A_57 = tpu.memref_slice %arg8[%dma_wait3A_55, %dma_wait3A_56] : memref<80x128xi32, #tpu.memory_space<vmem>> -> memref<1x128xi32, #tpu.memory_space<vmem>>
    %dma_wait3A_58 = tpu.memref_squeeze %dma_wait3A_57 : memref<1x128xi32, #tpu.memory_space<vmem>> -> memref<128xi32, #tpu.memory_space<vmem>>
    %dma_wait3A_59 = arith.constant 0 : i32
    %dma_wait3A_60 = arith.constant 0 : i32
    %dma_wait3A_61 = tpu.memref_slice %arg15[%dma_wait3A_59, %dma_wait3A_60] : memref<10112x80xf32, #tpu.memory_space<vmem_shared>> -> memref<10112x80xf32, #tpu.memory_space<vmem_shared>>
    tpu.wait_indirect_dma semaphore(%arg22 : memref<!tpu.dma_semaphore, #tpu.memory_space<semaphore_mem>>) src(%arg14 : memref<128x80xf32, #tpu.memory_space<vmem>>) dst(%dma_wait3A_61 : memref<10112x80xf32, #tpu.memory_space<vmem_shared>>)
    %barrier3A_62 = arith.constant 0 : index
    tpu.barrier barrier_id(%barrier3A_62)
    "tpu.region"() ({
      %run_scoped3A = tpu.sem_alloc : memref<!tpu.dma_semaphore, #tpu.memory_space<semaphore_mem>>
      %dma_start3A_63 = arith.constant 0 : i32
      %dma_start3A_64 = tpu.memref_slice %arg6[%arg0, %mul3A_5, %dma_start3A_63] : memref<2x10112x80xf32, #tpu.memory_space<hbm>> -> memref<1x632x80xf32, #tpu.memory_space<hbm>>
      %dma_start3A_65 = tpu.memref_squeeze %dma_start3A_64 : memref<1x632x80xf32, #tpu.memory_space<hbm>> -> memref<632x80xf32, #tpu.memory_space<hbm>>
      %dma_start3A_66 = arith.constant 0 : i32
      %dma_start3A_67 = tpu.memref_slice %arg15[%mul3A_5, %dma_start3A_66] : memref<10112x80xf32, #tpu.memory_space<vmem_shared>> -> memref<632x80xf32, #tpu.memory_space<vmem_shared>>
      tpu.enqueue_dma source(%dma_start3A_67 : memref<632x80xf32, #tpu.memory_space<vmem_shared>>) target(%dma_start3A_65 : memref<632x80xf32, #tpu.memory_space<hbm>>) target_semaphore(%run_scoped3A : memref<!tpu.dma_semaphore, #tpu.memory_space<semaphore_mem>>)
      %dma_wait3A_68 = arith.constant 0 : i32
      %dma_wait3A_69 = tpu.memref_slice %arg6[%arg0, %mul3A_5, %dma_wait3A_68] : memref<2x10112x80xf32, #tpu.memory_space<hbm>> -> memref<1x632x80xf32, #tpu.memory_space<hbm>>
      %dma_wait3A_70 = tpu.memref_squeeze %dma_wait3A_69 : memref<1x632x80xf32, #tpu.memory_space<hbm>> -> memref<632x80xf32, #tpu.memory_space<hbm>>
      %dma_wait3A_71 = arith.constant 0 : i32
      %dma_wait3A_72 = tpu.memref_slice %arg15[%mul3A_5, %dma_wait3A_71] : memref<10112x80xf32, #tpu.memory_space<vmem_shared>> -> memref<632x80xf32, #tpu.memory_space<vmem_shared>>
      tpu.wait_dma2 semaphore(%run_scoped3A : memref<!tpu.dma_semaphore, #tpu.memory_space<semaphore_mem>>) src(%dma_wait3A_72 : memref<632x80xf32, #tpu.memory_space<vmem_shared>>) dst(%dma_wait3A_70 : memref<632x80xf32, #tpu.memory_space<hbm>>)
      tpu.yield
    }) : () -> ()
    return
  }
}

module attributes {stable_mosaic.version = 14 : i64} {
  func.func @_dense1_body(%arg0: memref<10000x128xf32, #tpu.memory_space<vmem>>, %arg1: memref<128x64xf32, #tpu.memory_space<vmem>>, %arg2: memref<64x8xf32, #tpu.memory_space<vmem>>, %arg3: memref<64x8xf32, #tpu.memory_space<vmem>>, %arg4: memref<64x96xf32, #tpu.memory_space<vmem>>, %arg5: memref<8x96xf32, #tpu.memory_space<vmem>>, %arg6: memref<10000x96xbf16, #tpu.memory_space<vmem>>, %arg7: memref<10112x16xf32, #tpu.memory_space<vmem>>) attributes {dimension_semantics = [], scalar_prefetch = 0 : i64, scratch_operands = 0 : i64, tpu.core_type = #tpu.core_type<tc>} {
    %get3A = arith.constant 0 : index
    %get3A_0 = arith.constant 0 : index
    %get3A_1 = vector.load %arg0[%get3A, %get3A_0] : memref<10000x128xf32, #tpu.memory_space<vmem>>, vector<10000x128xf32>
    %get3A_2 = arith.constant 0 : index
    %get3A_3 = arith.constant 0 : index
    %get3A_4 = vector.load %arg1[%get3A_2, %get3A_3] : memref<128x64xf32, #tpu.memory_space<vmem>>, vector<128x64xf32>
    %dot_general3A = arith.constant dense<0.000000e+00> : vector<10000x64xf32>
    %dot_general3A_5 = tpu.matmul %get3A_1, %get3A_4, %dot_general3A {dimension_numbers = #tpu.dot_dimension_numbers<[1], [0], [0], [1], [0, 0, 1, 1], [], []>, transpose_lhs_hint = false} : vector<10000x128xf32>, vector<128x64xf32>, vector<10000x64xf32> -> vector<10000x64xf32>
    %get3A_6 = arith.constant 0 : index
    %get3A_7 = arith.constant 0 : index
    %get3A_8 = vector.load %arg2[%get3A_6, %get3A_7] : memref<64x8xf32, #tpu.memory_space<vmem>>, vector<64x8xf32>
    %dot_general3A_9 = arith.constant dense<0.000000e+00> : vector<10000x8xf32>
    %dot_general3A_10 = tpu.matmul %dot_general3A_5, %get3A_8, %dot_general3A_9 {dimension_numbers = #tpu.dot_dimension_numbers<[1], [0], [0], [1], [0, 0, 1, 1], [], []>, transpose_lhs_hint = false} : vector<10000x64xf32>, vector<64x8xf32>, vector<10000x8xf32> -> vector<10000x8xf32>
    %get3A_11 = arith.constant 0 : index
    %get3A_12 = arith.constant 0 : index
    %get3A_13 = vector.load %arg3[%get3A_11, %get3A_12] : memref<64x8xf32, #tpu.memory_space<vmem>>, vector<64x8xf32>
    %dot_general3A_14 = arith.constant dense<0.000000e+00> : vector<10000x8xf32>
    %dot_general3A_15 = tpu.matmul %dot_general3A_5, %get3A_13, %dot_general3A_14 {dimension_numbers = #tpu.dot_dimension_numbers<[1], [0], [0], [1], [0, 0, 1, 1], [], []>, transpose_lhs_hint = false} : vector<10000x64xf32>, vector<64x8xf32>, vector<10000x8xf32> -> vector<10000x8xf32>
    %get3A_16 = arith.constant 0 : index
    %get3A_17 = arith.constant 0 : index
    %get3A_18 = vector.load %arg4[%get3A_16, %get3A_17] : memref<64x96xf32, #tpu.memory_space<vmem>>, vector<64x96xf32>
    %dot_general3A_19 = arith.constant dense<0.000000e+00> : vector<10000x96xf32>
    %dot_general3A_20 = tpu.matmul %dot_general3A_5, %get3A_18, %dot_general3A_19 {dimension_numbers = #tpu.dot_dimension_numbers<[1], [0], [0], [1], [0, 0, 1, 1], [], []>, transpose_lhs_hint = false} : vector<10000x64xf32>, vector<64x96xf32>, vector<10000x96xf32> -> vector<10000x96xf32>
    %get3A_21 = arith.constant 0 : index
    %get3A_22 = arith.constant 0 : index
    %get3A_23 = vector.load %arg5[%get3A_21, %get3A_22] : memref<8x96xf32, #tpu.memory_space<vmem>>, vector<8x96xf32>
    %dot_general3A_24 = arith.constant dense<0.000000e+00> : vector<10000x96xf32>
    %dot_general3A_25 = tpu.matmul %dot_general3A_10, %get3A_23, %dot_general3A_24 {dimension_numbers = #tpu.dot_dimension_numbers<[1], [0], [0], [1], [0, 0, 1, 1], [], []>, transpose_lhs_hint = false} : vector<10000x8xf32>, vector<8x96xf32>, vector<10000x96xf32> -> vector<10000x96xf32>
    %add3A = arith.addf %dot_general3A_20, %dot_general3A_25 : vector<10000x96xf32>
    %convert_element_type3A = arith.truncf %add3A : vector<10000x96xf32> to vector<10000x96xbf16>
    %swap3A = arith.constant 0 : index
    %swap3A_26 = arith.constant 0 : index
    %swap3A_27 = vector.load %arg6[%swap3A, %swap3A_26] : memref<10000x96xbf16, #tpu.memory_space<vmem>>, vector<10000x96xbf16>
    tpu.vector_store %arg6[%swap3A, %swap3A_26], %convert_element_type3A {strides = array<i32>} : memref<10000x96xbf16, #tpu.memory_space<vmem>>, vector<10000x96xbf16>,
    %broadcast_in_dim3A = arith.constant 0.000000e+00 : f32
    %broadcast_in_dim3A_28 = vector.broadcast %broadcast_in_dim3A : f32 to vector<112x8xf32>
    %concatenate3A = tpu.concatenate %dot_general3A_15, %broadcast_in_dim3A_28 in 0 : vector<10000x8xf32>, vector<112x8xf32> -> vector<10112x8xf32>
    %swap3A_29 = arith.constant 0 : index
    %swap3A_30 = arith.constant 0 : index
    %swap3A_31 = vector.load %arg7[%swap3A_29, %swap3A_30] : memref<10112x16xf32, #tpu.memory_space<vmem>>, vector<10112x8xf32>
    tpu.vector_store %arg7[%swap3A_29, %swap3A_30], %concatenate3A {strides = array<i32>} : memref<10112x16xf32, #tpu.memory_space<vmem>>, vector<10112x8xf32>,
    %broadcast_in_dim3A_32 = arith.constant 0.000000e+00 : f32
    %broadcast_in_dim3A_33 = vector.broadcast %broadcast_in_dim3A_32 : f32 to vector<10112x8xf32>
    %swap3A_34 = arith.constant 0 : index
    %swap3A_35 = arith.constant 8 : index
    %swap3A_36 = vector.load %arg7[%swap3A_34, %swap3A_35] : memref<10112x16xf32, #tpu.memory_space<vmem>>, vector<10112x8xf32>
    tpu.vector_store %arg7[%swap3A_34, %swap3A_35], %broadcast_in_dim3A_33 {strides = array<i32>} : memref<10112x16xf32, #tpu.memory_space<vmem>>, vector<10112x8xf32>,
    return
  }
}

module attributes {stable_mosaic.version = 14 : i64} {
  func.func @_mid_body(%arg0: memref<2x10112x80xf32, #tpu.memory_space<vmem>>, %arg1: memref<64x40xf32, #tpu.memory_space<vmem>>, %arg2: memref<40x1xf32, #tpu.memory_space<vmem>>, %arg3: memref<40x1xf32, #tpu.memory_space<vmem>>, %arg4: memref<1x64xf32, #tpu.memory_space<vmem>>, %arg5: memref<8x64xf32, #tpu.memory_space<vmem>>, %arg6: memref<40x64xf32, #tpu.memory_space<vmem>>, %arg7: memref<1x64xf32, #tpu.memory_space<vmem>>, %arg8: memref<10000x64xbf16, #tpu.memory_space<vmem>>, %arg9: memref<10112x1xf32, #tpu.memory_space<vmem>>, %arg10: memref<10112x1xf32, #tpu.memory_space<vmem>>) attributes {dimension_semantics = [], scalar_prefetch = 0 : i64, scratch_operands = 0 : i64, tpu.core_type = #tpu.core_type<tc>} {
    %get3A = arith.constant 0 : index
    %get3A_0 = arith.constant 0 : index
    %get3A_1 = arith.constant 0 : index
    %get3A_2 = vector.load %arg0[%get3A, %get3A_0, %get3A_1] : memref<2x10112x80xf32, #tpu.memory_space<vmem>>, vector<1x10112x80xf32>
    %get3A_3 = vector.shape_cast %get3A_2 : vector<1x10112x80xf32> to vector<10112x80xf32>
    %get3A_4 = arith.constant 1 : index
    %get3A_5 = arith.constant 0 : index
    %get3A_6 = arith.constant 0 : index
    %get3A_7 = vector.load %arg0[%get3A_4, %get3A_5, %get3A_6] : memref<2x10112x80xf32, #tpu.memory_space<vmem>>, vector<1x10112x80xf32>
    %get3A_8 = vector.shape_cast %get3A_7 : vector<1x10112x80xf32> to vector<10112x80xf32>
    %add3A = arith.addf %get3A_3, %get3A_8 : vector<10112x80xf32>
    %slice3A = vector.extract_strided_slice %add3A {offsets = [0, 0], sizes = [10000, 64], strides = [1, 1]} : vector<10112x80xf32> to vector<10000x64xf32>
    %slice3A_9 = vector.extract_strided_slice %add3A {offsets = [0, 64], sizes = [10000, 8], strides = [1, 1]} : vector<10112x80xf32> to vector<10000x8xf32>
    %get3A_10 = arith.constant 0 : index
    %get3A_11 = arith.constant 0 : index
    %get3A_12 = vector.load %arg5[%get3A_10, %get3A_11] : memref<8x64xf32, #tpu.memory_space<vmem>>, vector<8x64xf32>
    %dot_general3A = arith.constant dense<0.000000e+00> : vector<10000x64xf32>
    %dot_general3A_13 = tpu.matmul %slice3A_9, %get3A_12, %dot_general3A {dimension_numbers = #tpu.dot_dimension_numbers<[1], [0], [0], [1], [0, 0, 1, 1], [], []>, transpose_lhs_hint = false} : vector<10000x8xf32>, vector<8x64xf32>, vector<10000x64xf32> -> vector<10000x64xf32>
    %add3A_14 = arith.constant 1.000000e-16 : f32
    %add3A_15 = vector.broadcast %add3A_14 : f32 to vector<10000x64xf32>
    %add3A_16 = arith.addf %dot_general3A_13, %add3A_15 : vector<10000x64xf32>
    %div3A = arith.divf %slice3A, %add3A_16 : vector<10000x64xf32>
    %get3A_17 = arith.constant 0 : index
    %get3A_18 = arith.constant 0 : index
    %get3A_19 = vector.load %arg4[%get3A_17, %get3A_18] : memref<1x64xf32, #tpu.memory_space<vmem>>, vector<1x64xf32>
    %add3A_20 = vector.broadcast %get3A_19 : vector<1x64xf32> to vector<10000x64xf32>
    %add3A_21 = arith.addf %div3A, %add3A_20 : vector<10000x64xf32>
    %ge3A = arith.constant 0.000000e+00 : f32
    %ge3A_22 = vector.broadcast %ge3A : f32 to vector<10000x64xf32>
    %ge3A_23 = arith.cmpf oge, %add3A_21, %ge3A_22 : vector<10000x64xf32>
    %mul3A = arith.constant 2.000000e-01 : f32
    %mul3A_24 = vector.broadcast %mul3A : f32 to vector<10000x64xf32>
    %mul3A_25 = arith.mulf %mul3A_24, %add3A_21 : vector<10000x64xf32>
    %select_n3A = arith.select %ge3A_23, %add3A_21, %mul3A_25 : vector<10000x64xi1>, vector<10000x64xf32>
    %get3A_26 = arith.constant 0 : index
    %get3A_27 = arith.constant 0 : index
    %get3A_28 = vector.load %arg1[%get3A_26, %get3A_27] : memref<64x40xf32, #tpu.memory_space<vmem>>, vector<64x40xf32>
    %dot_general3A_29 = arith.constant dense<0.000000e+00> : vector<10000x40xf32>
    %dot_general3A_30 = tpu.matmul %select_n3A, %get3A_28, %dot_general3A_29 {dimension_numbers = #tpu.dot_dimension_numbers<[1], [0], [0], [1], [0, 0, 1, 1], [], []>, transpose_lhs_hint = false} : vector<10000x64xf32>, vector<64x40xf32>, vector<10000x40xf32> -> vector<10000x40xf32>
    %get3A_31 = arith.constant 0 : index
    %get3A_32 = arith.constant 0 : index
    %get3A_33 = vector.load %arg2[%get3A_31, %get3A_32] : memref<40x1xf32, #tpu.memory_space<vmem>>, vector<40x1xf32>
    %dot_general3A_34 = arith.constant dense<0.000000e+00> : vector<10000x1xf32>
    %dot_general3A_35 = tpu.matmul %dot_general3A_30, %get3A_33, %dot_general3A_34 {dimension_numbers = #tpu.dot_dimension_numbers<[1], [0], [0], [1], [0, 0, 1, 1], [], []>, transpose_lhs_hint = false} : vector<10000x40xf32>, vector<40x1xf32>, vector<10000x1xf32> -> vector<10000x1xf32>
    %get3A_36 = arith.constant 0 : index
    %get3A_37 = arith.constant 0 : index
    %get3A_38 = vector.load %arg3[%get3A_36, %get3A_37] : memref<40x1xf32, #tpu.memory_space<vmem>>, vector<40x1xf32>
    %dot_general3A_39 = arith.constant dense<0.000000e+00> : vector<10000x1xf32>
    %dot_general3A_40 = tpu.matmul %dot_general3A_30, %get3A_38, %dot_general3A_39 {dimension_numbers = #tpu.dot_dimension_numbers<[1], [0], [0], [1], [0, 0, 1, 1], [], []>, transpose_lhs_hint = false} : vector<10000x40xf32>, vector<40x1xf32>, vector<10000x1xf32> -> vector<10000x1xf32>
    %get3A_41 = arith.constant 0 : index
    %get3A_42 = arith.constant 0 : index
    %get3A_43 = vector.load %arg6[%get3A_41, %get3A_42] : memref<40x64xf32, #tpu.memory_space<vmem>>, vector<40x64xf32>
    %dot_general3A_44 = arith.constant dense<0.000000e+00> : vector<10000x64xf32>
    %dot_general3A_45 = tpu.matmul %dot_general3A_30, %get3A_43, %dot_general3A_44 {dimension_numbers = #tpu.dot_dimension_numbers<[1], [0], [0], [1], [0, 0, 1, 1], [], []>, transpose_lhs_hint = false} : vector<10000x40xf32>, vector<40x64xf32>, vector<10000x64xf32> -> vector<10000x64xf32>
    %get3A_46 = arith.constant 0 : index
    %get3A_47 = arith.constant 0 : index
    %get3A_48 = vector.load %arg7[%get3A_46, %get3A_47] : memref<1x64xf32, #tpu.memory_space<vmem>>, vector<1x64xf32>
    %dot_general3A_49 = arith.constant dense<0.000000e+00> : vector<10000x64xf32>
    %dot_general3A_50 = tpu.matmul %dot_general3A_35, %get3A_48, %dot_general3A_49 {dimension_numbers = #tpu.dot_dimension_numbers<[1], [0], [0], [1], [0, 0, 1, 1], [], []>, transpose_lhs_hint = false} : vector<10000x1xf32>, vector<1x64xf32>, vector<10000x64xf32> -> vector<10000x64xf32>
    %add3A_51 = arith.addf %dot_general3A_45, %dot_general3A_50 : vector<10000x64xf32>
    %convert_element_type3A = arith.truncf %add3A_51 : vector<10000x64xf32> to vector<10000x64xbf16>
    %swap3A = arith.constant 0 : index
    %swap3A_52 = arith.constant 0 : index
    %swap3A_53 = vector.load %arg8[%swap3A, %swap3A_52] : memref<10000x64xbf16, #tpu.memory_space<vmem>>, vector<10000x64xbf16>
    tpu.vector_store %arg8[%swap3A, %swap3A_52], %convert_element_type3A {strides = array<i32>} : memref<10000x64xbf16, #tpu.memory_space<vmem>>, vector<10000x64xbf16>,
    %broadcast_in_dim3A = arith.constant 0.000000e+00 : f32
    %broadcast_in_dim3A_54 = vector.broadcast %broadcast_in_dim3A : f32 to vector<112x1xf32>
    %concatenate3A = tpu.concatenate %dot_general3A_35, %broadcast_in_dim3A_54 in 0 : vector<10000x1xf32>, vector<112x1xf32> -> vector<10112x1xf32>
    %swap3A_55 = arith.constant 0 : index
    %swap3A_56 = arith.constant 0 : index
    %swap3A_57 = vector.load %arg9[%swap3A_55, %swap3A_56] : memref<10112x1xf32, #tpu.memory_space<vmem>>, vector<10112x1xf32>
    tpu.vector_store %arg9[%swap3A_55, %swap3A_56], %concatenate3A {strides = array<i32>} : memref<10112x1xf32, #tpu.memory_space<vmem>>, vector<10112x1xf32>,
    %concatenate3A_58 = tpu.concatenate %dot_general3A_40, %broadcast_in_dim3A_54 in 0 : vector<10000x1xf32>, vector<112x1xf32> -> vector<10112x1xf32>
    %swap3A_59 = arith.constant 0 : index
    %swap3A_60 = arith.constant 0 : index
    %swap3A_61 = vector.load %arg10[%swap3A_59, %swap3A_60] : memref<10112x1xf32, #tpu.memory_space<vmem>>, vector<10112x1xf32>
    tpu.vector_store %arg10[%swap3A_59, %swap3A_60], %concatenate3A_58 {strides = array<i32>} : memref<10112x1xf32, #tpu.memory_space<vmem>>, vector<10112x1xf32>,
    return
  }
}

module attributes {stable_mosaic.version = 14 : i64} {
  func.func @_final_body(%arg0: memref<2x10112x48xf32, #tpu.memory_space<vmem>>, %arg1: memref<1x40xf32, #tpu.memory_space<vmem>>, %arg2: memref<10000x40xf32, #tpu.memory_space<vmem>>) attributes {dimension_semantics = [], scalar_prefetch = 0 : i64, scratch_operands = 0 : i64, tpu.core_type = #tpu.core_type<tc>} {
    %get3A = arith.constant 0 : index
    %get3A_0 = arith.constant 0 : index
    %get3A_1 = arith.constant 0 : index
    %get3A_2 = vector.load %arg0[%get3A, %get3A_0, %get3A_1] : memref<2x10112x48xf32, #tpu.memory_space<vmem>>, vector<1x10112x48xf32>
    %get3A_3 = vector.shape_cast %get3A_2 : vector<1x10112x48xf32> to vector<10112x48xf32>
    %get3A_4 = arith.constant 1 : index
    %get3A_5 = arith.constant 0 : index
    %get3A_6 = arith.constant 0 : index
    %get3A_7 = vector.load %arg0[%get3A_4, %get3A_5, %get3A_6] : memref<2x10112x48xf32, #tpu.memory_space<vmem>>, vector<1x10112x48xf32>
    %get3A_8 = vector.shape_cast %get3A_7 : vector<1x10112x48xf32> to vector<10112x48xf32>
    %add3A = arith.addf %get3A_3, %get3A_8 : vector<10112x48xf32>
    %slice3A = vector.extract_strided_slice %add3A {offsets = [0, 0], sizes = [10000, 40], strides = [1, 1]} : vector<10112x48xf32> to vector<10000x40xf32>
    %slice3A_9 = vector.extract_strided_slice %add3A {offsets = [0, 40], sizes = [10000, 1], strides = [1, 1]} : vector<10112x48xf32> to vector<10000x1xf32>
    %add3A_10 = arith.constant 1.000000e-16 : f32
    %add3A_11 = vector.broadcast %add3A_10 : f32 to vector<10000x1xf32>
    %add3A_12 = arith.addf %slice3A_9, %add3A_11 : vector<10000x1xf32>
    %div3A = vector.broadcast %add3A_12 : vector<10000x1xf32> to vector<10000x40xf32>
    %div3A_13 = arith.divf %slice3A, %div3A : vector<10000x40xf32>
    %get3A_14 = arith.constant 0 : index
    %get3A_15 = arith.constant 0 : index
    %get3A_16 = vector.load %arg1[%get3A_14, %get3A_15] : memref<1x40xf32, #tpu.memory_space<vmem>>, vector<1x40xf32>
    %add3A_17 = vector.broadcast %get3A_16 : vector<1x40xf32> to vector<10000x40xf32>
    %add3A_18 = arith.addf %div3A_13, %add3A_17 : vector<10000x40xf32>
    %reduce_max3A = arith.constant dense<0xFF800000> : vector<10000xf32>
    %reduce_max3A_19 = vector.multi_reduction <maximumf>, %add3A_18, %reduce_max3A [1] : vector<10000x40xf32> to vector<10000xf32>
    %broadcast_in_dim3A = vector.shape_cast %reduce_max3A_19 : vector<10000xf32> to vector<10000x1xf32>
    %sub3A = vector.broadcast %broadcast_in_dim3A : vector<10000x1xf32> to vector<10000x40xf32>
    %sub3A_20 = arith.subf %add3A_18, %sub3A : vector<10000x40xf32>
    %exp3A = math.exp %sub3A_20 : vector<10000x40xf32>
    %reduce_sum3A = arith.constant dense<0.000000e+00> : vector<10000xf32>
    %reduce_sum3A_21 = vector.multi_reduction <add>, %exp3A, %reduce_sum3A [1] : vector<10000x40xf32> to vector<10000xf32>
    %broadcast_in_dim3A_22 = vector.shape_cast %reduce_sum3A_21 : vector<10000xf32> to vector<10000x1xf32>
    %log3A = math.log %broadcast_in_dim3A_22 : vector<10000x1xf32>
    %sub3A_23 = vector.broadcast %log3A : vector<10000x1xf32> to vector<10000x40xf32>
    %sub3A_24 = arith.subf %sub3A_20, %sub3A_23 : vector<10000x40xf32>
    %swap3A = arith.constant 0 : index
    %swap3A_25 = arith.constant 0 : index
    %swap3A_26 = vector.load %arg2[%swap3A, %swap3A_25] : memref<10000x40xf32, #tpu.memory_space<vmem>>, vector<10000x40xf32>
    tpu.vector_store %arg2[%swap3A, %swap3A_25], %sub3A_24 {strides = array<i32>} : memref<10000x40xf32, #tpu.memory_space<vmem>>, vector<10000x40xf32>,
    return
  }
}

</mosaic_0001>

<sc_bundles>
// kernel: kernel.10.cloned.1.call-start
scs
__scs_entry_jumppad:
0x0: {  	(pc) =	sbr.rel $0x88, $3  }
0x1: {  	(tag) =	ssettag $0x0;
	lr =	simm.s32 $0x1  }
0x2: {  	[smem:$0x3F97] =	sst lr;
	_ =	strace $0xD0000000  }
0x3: {  	_ = 	snop  }
0x4: {  	_ = 	snop  }
0x5: {  	_ = 	snop  }
0x6: {  	_ = 	snop  }
0x7: {  	_ = 	snop  }
__scs_overlays_trampoline_lowered:
0x8: {  	[smem:$0x3FA6] =	sst s0  }
0x9: {  	[smem:$0x3FA7] =	sst s1  }
0xa: {  	[smem:$0x3FA8] =	sst s2  }
0xb: {  	[smem:$0x3FA9] =	sst s3  }
0xc: {  	[smem:$0x3FAA] =	sst s4  }
0xd: {  	[smem:$0x3FAB] =	sst s5  }
0xe: {  	[smem:$0x3FAC] =	sst s6  }
0xf: {  	[smem:$0x3FAD] =	sst s7  }
0x10: {  	[smem:$0x3FAE] =	sst s8  }
0x11: {  	[smem:$0x3FAF] =	sst s9;
	s0 =	simm.s32 @!p0 $0x0  }
0x12: {  	s1 =	sld [smem:$0x3F95];
	s0 =	simm.s32 @p0 $0x1  }
0x13: {  	[smem:$0x3FB0] =	sst s0;
	s0 =	simm.s32 @!p1 $0x0  }
0x14: {  	s2 =	sld [smem:$0x3F94];
	s0 =	simm.s32 @p1 $0x1  }
0x15: {  	[smem:$0x3FB1] =	sst s0;
	s0 =	simm.s32 @!p2 $0x0  }
0x16: {  	s3 =	sld [smem:$0x3FDB];
	s0 =	simm.s32 @p2 $0x1  }
0x17: {  	s4 =	simm.s32 $0x1BF5;
	[smem:$0x3FB3] =	sst s0  }
0x18: {  	s0 =	sld [smem:$0x3F96];
	_ =	swait.ge [sflag:s4], $0x0  }
0x19: {  	s7 =	sld [smem:$0x3F97]  }
0x1a: {  	s8 =	sadd.s32 $0xFFFFE003, lr  }
0x1b: {  	s9 =	sadd.s32 $0xFFFFFEF7, lr;
	s5 =	simm.s32 $0xFFFFFFFF;
	p2 =	slt.u32 s8, $0xFFFFF086  }
0x1c: {  	p1 =	slt.u32 s9, $0xF7A;
	s5 =	simm.s32 @!p2 $0x0  }
0x1d: {  	s5 =	simm.s32 @p1 $0x1;
	p0 =	seq.s32 s7, s2  }
0x1e: {  	s7 =	smul.u32 @!p0 $0xF7A, s2;
	p2 =	seq.s32 @!p0 s5, $0x0  }
0x1f: {  	s9 =	smul.u32 $0xF7A, s1;
	s8 =	simm.s32 @!p0 $0x1BF5;
	p2 =	por !p2, p0  }
0x20: {  	[sflag:s8] =	ssyncset.s32 @!p0 $0xFFFFF086;
	s6 =	sadd.s32 @!p0 s3, s7;
	s7 =	simm.s32 @!p0 $0x108  }
0x21: {  	s3 =	sadd.s32 s3, s9;
	s6 =	sadd.s32 @!p0 $0x88, s6;
	s7 =	simm.s32 @p2 $0x1082  }
0x22: {  	[simem:s7], [sflag:s8] =	dma.local @!p0 [hbm:s6], $0xF7A  }
0x23: {  	s9 =	sor.u32 $0xD0000000, s2;
	s6 =	simm.s32 $0x108;
	_ =	swait.ge @!p0 [sflag:s8], $0x0  }
0x24: {  	s3 =	sadd.s32 $0x88, s3;
	s6 =	simm.s32 @!p1 $0x1082;
	[sflag:s4] =	ssyncset.s32 $0xFFFFF086  }
0x25: {  	[simem:s6], [sflag:s4] =	dma.local [hbm:s3], $0xF7A  }
0x26: {  	[smem:$0x3F97] =	sst s1;
	(tag) =	ssettag s2;
	_ =	strace s9  }
0x27: {  	s1 =	sld [smem:$0x3FA7]  }
0x28: {  	s2 =	sld [smem:$0x3FA8]  }
0x29: {  	s4 =	sld [smem:$0x3FAA]  }
0x2a: {  	p0 =	seq.s32 s5, $0x0;
	s5 =	sld [smem:$0x3FAB]  }
0x2b: {  	s6 =	sld [smem:$0x3FAC]  }
0x2c: {  	s7 =	sld [smem:$0x3FAD]  }
0x2d: {  	s3 =	simm.s32 $0x108;
	s8 =	sld [smem:$0x3FAE]  }
0x2e: {  	s3 =	simm.s32 @!p0 $0x1082;
	s9 =	sld [smem:$0x3FAF]  }
0x2f: {  	lr =	sadd.s32 s0, s3;
	s0 =	sld [smem:$0x3FA6]  }
0x30: {  	s3 =	sld [smem:$0x3FA9]  }
0x31: {  	[smem:$0x3FB2] =	sst s10  }
0x32: {  	s10 =	sld [smem:$0x3FB0];
	_ =	sdelay $0x3  }
0x33: {  	p0 =	seq.s32 s10, $0x1;
	s10 =	sld [smem:$0x3FB2];
	_ =	sdelay $0x3  }
0x34: {  	[smem:$0x3FB2] =	sst s10  }
0x35: {  	s10 =	sld [smem:$0x3FB1];
	_ =	sdelay $0x3  }
0x36: {  	p1 =	seq.s32 s10, $0x1;
	s10 =	sld [smem:$0x3FB2];
	_ =	sdelay $0x3  }
0x37: {  	[smem:$0x3FB2] =	sst s10  }
0x38: {  	s10 =	sld [smem:$0x3FB3]  }
0x39: {  	_ = 	snop;
	(pc) =	sbr.ind lr, $3  }
0x3a: {  	_ = 	snop  }
0x3b: {  	_ = 	snop  }
0x3c: {  	p2 =	seq.s32 s10, $0x1;
	s10 =	sld [smem:$0x3FB2]  }
0x3d: {  	_ =	shalt  }
0x3e: {  	_ =	shalt  }
0x3f: {  	_ =	shalt  }
0x40: {  	_ =	shalt  }
0x41: {  	_ =	shalt  }
0x42: {  	_ =	shalt  }
0x43: {  	_ =	shalt  }
0x44: {  	_ =	shalt  }
0x45: {  	_ =	shalt  }
0x46: {  	_ =	shalt  }
0x47: {  	_ =	shalt  }
0x48: {  	_ =	shalt  }
0x49: {  	_ =	shalt  }
0x4a: {  	_ =	shalt  }
0x4b: {  	_ =	shalt  }
0x4c: {  	_ =	shalt  }
0x4d: {  	_ =	shalt  }
0x4e: {  	_ =	shalt  }
0x4f: {  	_ =	shalt  }
0x50: {  	_ =	shalt  }
0x51: {  	_ =	shalt  }
0x52: {  	_ =	shalt  }
0x53: {  	_ =	shalt  }
0x54: {  	_ =	shalt  }
0x55: {  	_ =	shalt  }
0x56: {  	_ =	shalt  }
0x57: {  	_ =	shalt  }
0x58: {  	_ =	shalt  }
0x59: {  	_ =	shalt  }
0x5a: {  	_ =	shalt  }
0x5b: {  	_ =	shalt  }
0x5c: {  	_ =	shalt  }
0x5d: {  	_ =	shalt  }
0x5e: {  	_ =	shalt  }
0x5f: {  	_ =	shalt  }
0x60: {  	_ =	shalt  }
0x61: {  	_ =	shalt  }
0x62: {  	_ =	shalt  }
0x63: {  	_ =	shalt  }
0x64: {  	_ =	shalt  }
0x65: {  	_ =	shalt  }
0x66: {  	_ =	shalt  }
0x67: {  	_ =	shalt  }
0x68: {  	_ =	shalt  }
0x69: {  	_ =	shalt  }
0x6a: {  	_ =	shalt  }
0x6b: {  	_ =	shalt  }
0x6c: {  	_ =	shalt  }
0x6d: {  	_ =	shalt  }
0x6e: {  	_ =	shalt  }
0x6f: {  	_ =	shalt  }
0x70: {  	_ =	shalt  }
0x71: {  	_ =	shalt  }
0x72: {  	_ =	shalt  }
0x73: {  	_ =	shalt  }
0x74: {  	_ =	shalt  }
0x75: {  	_ =	shalt  }
0x76: {  	_ =	shalt  }
0x77: {  	_ =	shalt  }
0x78: {  	_ =	shalt  }
0x79: {  	_ =	shalt  }
0x7a: {  	_ =	shalt  }
0x7b: {  	_ =	shalt  }
0x7c: {  	_ =	shalt  }
0x7d: {  	_ =	shalt  }
0x7e: {  	_ =	shalt  }
0x7f: {  	_ =	shalt  }
0x80: {  	_ =	shalt  }
0x81: {  	_ =	shalt  }
0x82: {  	_ =	shalt  }
0x83: {  	_ =	shalt  }
0x84: {  	_ =	shalt  }
0x85: {  	_ =	shalt  }
0x86: {  	_ =	shalt  }
0x87: {  	_ =	shalt  }
.Lfunc_end0:
.L_simem_size_0:
called_computation.1_lowered:
.L_overlay_start_0:
0x88: {  	s2 =	sld [smem:$0x3FD9]  }
0x89: {  	s3 =	sld [smem:$0x3FFE];
	_ =	sdelay $0x1  }
0x8a: {  	s1 =	srdreg.scid  }
0x8b: {  	s0 =	sand.u32 $0x1, s1  }
0x8c: {  	s17 =	sshll.u32 s0, $0xA;
	s2 =	sadd.s32 s3, s2  }
0x8d: {  	s2 =	sadd.s32 s2, s17  }
0x8e: {  	[smem:$0x3FBE] =	sst s2  }
0x8f: {  	_ = 	snop  }
0x90: {  	s2 =	sld [smem:$0x3FD0];
	(tm) =	ssettm $0x1  }
0x91: {  	s18 =	sld [smem:$0x3FFB];
	_ =	sdelay $0x3  }
0x92: {  	_ =	strace s18  }
0x93: {  	s3 =	sld [smem:$0x3FFC];
	_ =	sdelay $0x3  }
0x94: {  	_ =	strace s3  }
0x95: {  	s3 =	sld [smem:$0x3FFD];
	_ =	sdelay $0x3  }
0x96: {  	_ =	strace s3  }
0x97: {  	_ =	strace $0x8FFFFFFF  }
0x98: {  	s19 =	sld [smem:$0x3FDB];
	_ =	sdelay $0x1  }
0x99: {  	s4 =	simm.s32 $_scs_section_size  }
0x9a: {  	s5 =	simm.s32 $_size__tile_overlayer_lowered;
	s6 =	simm.s32 $_tile_overlayer_lowered  }
0x9b: {  	s22 =	simm.s32 $0x1BFF;
	s21 =	sshll.u32 s6, $0x1;
	s3 =	sadd.s32 s4, s19  }
0x9c: {  	s7 =	simm.s32 $0x0;
	s20 =	sshll.u32 s5, $0x1;
	s5 =	sadd.s32 s21, s3  }
0x9d: {  	[timem:s7], [sflag:s22] =	dma.local [hbm:s5], s20  }
0x9e: {  	_ =	swait.ge [sflag:s22], s20  }
0x9f: {  	s4 =	ssub.s32 $0x0, s20;
	[sflag:s22] =	ssyncset.done $0x0  }
0xa0: {  	[sflag:s22] =	ssyncadd.s32 s4;
	_ =	sdelay $0x1  }
0xa1: {  	s23 =	simm.s32 $0x1B8B  }
0xa2: {  	_ =	swait.ge [sflag:s23], $0x1  }
0xa3: {  	[sflag:s23] =	ssyncset.done $0x0  }
0xa4: {  	s25 =	simm.s32 $0x1B8E;
	s24 =	sld [smem:$0x3FFE];
	[sflag:s23] =	ssyncadd.s32 $0xFFFFFFFF  }
0xa5: {  	s26 =	simm.s32 $execute0_lowered;
	[smem:$0x3FD2] =	sst s25  }
0xa6: {  	s5 =	sshll.u32 s26, $0x1;
	_ =	strace $0x80000049;
	[dreg:$0x1] =	wrdreg $0xFFFFFFFF  }
0xa7: {  	s28 =	simm.s32 $_size_execute0_lowered;
	s3 =	sadd.s32 s3, s5;
	[dreg:$0x0] =	wrdreg $0x0  }
0xa8: {  	s5 =	sshll.u32 s28, $0x1;
	[dreg:$0x2] =	wrdreg s3  }
0xa9: {  	[dreg:$0x3] =	wrdreg s5  }
0xaa: {  	[dreg:$0x4] =	wrdreg $0xC0  }
0xab: {  	_ =	task [dreg:s7], $0x5FFFF  }
0xac: {  	[dreg:$0x1] =	wrdreg $0xFFFFFFFF  }
0xad: {  	[dreg:$0x0] =	wrdreg $0x60  }
0xae: {  	[dreg:$0x2] =	wrdreg s24  }
0xaf: {  	[dreg:$0x3] =	wrdreg s2  }
0xb0: {  	[dreg:$0x4] =	wrdreg $0xEF800  }
0xb1: {  	[dreg:$0x5] =	wrdreg $0x9  }
0xb2: {  	_ =	task.clear_ibuf [dreg:s7], $0x6FFFF;
	_ =	strace $0x90000049  }
0xb3: {  	s29 =	simm.s32 $0x9;
	_ =	strace $0x8000004B  }
0xb4: {  	_ =	swait.ge [sflag:s29], $0x1  }
0xb5: {  	[sflag:s29] =	ssyncadd.s32 $0xFFFFFFFF  }
0xb6: {  	_ =	strace $0x9000004B  }
0xb7: {  	_ =	sfence  }
0xb8: {  	s30 =	sld [smem:$0x0];
	_ =	sdelay $0x2  }
0xb9: {  	s31 =	sshll.u32 s1, $0xD;
	s1 =	sshrl.u32 s1, $0x2  }
0xba: {  	s3 =	sand.u32 $0x4000, s31;
	s1 =	sadd.s32 s1, s30  }
0xbb: {  	s0 =	sor.u32 s3, s0;
	s1 =	sshll.u32 s1, $0x11  }
0xbc: {  	s0 =	sor.u32 s1, s0  }
0xbd: {  	s0 =	sadd.s32 $0x8F2B, s0  }
0xbe: {  	[sflag:s0] =	ssyncadd.remote.s32 $0x1  }
0xbf: {  	_ =	sfence.sel $0xFFFF  }
0xc0: {  	[dreg:$0x0] =	wrdreg $0xFFFFFFFF;
	(pc) =	sbr.abs _section_cstart, $3  }
0xc1: {  	[dreg:$0x1] =	wrdreg $0xFFFFFFFF  }
0xc2: {  	_ =	task.clear_ibuf [dreg:s7], $0x2FFFF;
	_ =	strace $0x9FFFFFFF  }
0xc3: {  	(tm) =	ssettm $0x7FFFFFFF  }
tec
execute0_lowered:
.L_overlay_start_1:
0x0: {  	(tag) =	ssettag $0x1  }
0x1: {  	s0 =	rddreg [dreg:$0x0]  }
0x2: {  	s3 =	rddreg [dreg:$0x1]  }
0x3: {  	s1 =	rddreg [dreg:$0x2];
	s2 =	simm.s32 $0x0  }
0x4: {  	s4 =	srdreg.scid;
	s10 =	stileid.u32;
	s19 =	simm.s32 $0x16600  }
0x5: {  	s20 =	simm.s32 $0x5;
	s21 =	simm.s32 $0xA000;
	s28 =	simm.s32 $0x6000  }
0x6: {  	s29 =	simm.s32 $0x1;
	s30 =	simm.s32 $0xEF00;
	s31 =	simm.s32 $0x7000  }
0x7: {  	[smem:$0x7FF] =	sst s2;
	s5 =	sand.u32 $0x1, s4;
	s4 =	sadd.s32 $0x400, s0  }
0x8: {  	s8 =	smul.u32 $0x7680, s10;
	s9 =	sadd.s32 $0xA200, s0;
	s11 =	sadd.s32 $0xA800, s0  }
0x9: {  	_ =	strace $0x8000004A;
	s6 =	smul.u32 $0x76800, s5;
	[dreg:$0x4] =	wrdreg s9  }
0xa: {  	s7 =	sshll.u32 s5, $0x4;
	[dreg:$0x5] =	wrdreg s11;
	s5 =	ssub.s32 $0x2, s5  }
0xb: {  	s7 =	sor.u32 s10, s7;
	s12 =	sshrl.u32 s5, $0x1;
	s10 =	smul.u32 $0x1DA00, s10  }
0xc: {  	s15 =	sadd.s32 s8, s1;
	s7 =	smul.u32 $0x500, s7;
	s6 =	sadd.s32 s8, s6  }
0xd: {  	s5 =	ssub.s32 s5, s12;
	s6 =	sshrl.u32 s6, $0x3;
	s14 =	sshrl.u32 s10, $0x2  }
0xe: {  	s22 =	smax.u32 s5, $0x1;
	s11 =	sadd.s32 s7, s0;
	s0 =	sadd.s32 s6, s0  }
0xf: {  	s3 =	sadd.s32 s3, s7;
	s10 =	sadd.s32 s14, s1;
	[dreg:$0x9] =	wrdreg s22  }
0x10: {  	s22 =	simm.s32 $0xC780;
	[dreg:$0x6] =	wrdreg s3;
	s13 =	sadd.s32 $0x14000, s11  }
0x11: {  	s0 =	sadd.s32 $0x1E000, s0;
	s23 =	sadd.s32 $0xED0, s10;
	[dreg:$0x7] =	wrdreg s13  }
0x12: {  	s24 =	sadd.s32 $0x1DA0, s10;
	s25 =	sadd.s32 $0x2C70, s10;
	[dreg:$0x8] =	wrdreg s0  }
.Ltmp0:
0x13: {  	s26 =	sadd.s32 $0x3B40, s10;
	[dreg:$0xa] =	wrdreg s23;
	(pc) =	sbr.rel .LBB2_1-.Ltmp0, $4  }
0x14: {  	s16 =	sadd.s32 $0x4A10, s10;
	s17 =	sadd.s32 $0x58E0, s10;
	[dreg:$0xb] =	wrdreg s24  }
0x15: {  	s18 =	sadd.s32 $0x67B0, s10;
	s3 =	simm.s32 $0x4;
	[dreg:$0xc] =	wrdreg s25  }
0x16: {  	[dreg:$0xd] =	wrdreg s26;
	s24 =	simm.s32 $0x80;
	s25 =	sshrl.u32 s15, $0x3  }
0x17: {  	v0 =	vimm.f32 $0.0e+00;
	vm0 =	vmmov $0xff;
	s0 =	simm.s32 $0x2;
	s23 =	simm.s32 $0x8800;
	s26 =	simm.s32 $0x3  }
.LBB2_10:
0x18: {  	_ =	swait.ge [sflag:s26], $0x1800  }
0x19: {  	[sflag:s26] =	ssyncset.done $0x0  }
0x1a: {  	[sflag:s26] =	ssyncadd.s32 $0xFFFFE800  }
0x1b: {  	_ =	swait.ge [sflag:s3], $0x1800  }
0x1c: {  	[sflag:s3] =	ssyncset.done $0x0  }
0x1d: {  	s5 =	stileid.u32;
	[sflag:s3] =	ssyncadd.s32 $0xFFFFE800  }
0x1e: {  	s5 =	sshll.u32 s5, $0x6;
	[bflag:$0x0] =	sbarrier.arrive $0xFFFF  }
0x1f: {  	s5 =	sor.u32 $0x1C05, s5;
	s6 =	rddreg [dreg:$0x8]  }
0x20: {  	[hbm:s6], [sflag:s5] =	dma.local [spmem:s25], $0xED0  }
0x21: {  	_ =	swait.ge [sflag:s20], $0xED0  }
0x22: {  	s2 =	sadd.s32 $0x1, s2;
	s15 =	rddreg [dreg:$0x9]  }
0x23: {  	p0 =	sne.s32 s2, s15  }
.Ltmp1:
0x24: {  	_ = 	snop;
	(pc) =	sbr.rel @!p0 .LBB2_11-.Ltmp1, $3  }
0x25: {  	_ =	sdelay $0x1  }
0x26: {  	[sflag:s20] =	ssyncset.done $0x0  }
0x27: {  	[sflag:s20] =	ssyncadd.s32 $0xFFFFF130  }
.LBB2_1:
0x28: {  	s5 =	simm.s32 $0xC0;
	s6 =	simm.s32 $0x0  }
.LBB2_2:
0x29: {  	p0 =	sne.s32 s5, $0x3A80;
	[tilespmem:s6+$0x16620] =	vst v0;
	s7 =	smov.u32 s5;
	s5 =	sadd.s32 $0xC0, s5  }
.Ltmp2:
0x2a: {  	[tilespmem:s6+$0x16600] =	vst v0;
	(pc) =	sbr.rel @p0 .LBB2_2-.Ltmp2, $2  }
0x2b: {  	[tilespmem:s6+$0x16610] =	vst v0;
	_ =	sdelay $0x2  }
0x2c: {  	s6 =	sshra.s32 s7, $0x2  }
0x2d: {  	[tilespmem:s6+$0x16620] =	vst v0  }
0x2e: {  	[tilespmem:s6+$0x16600] =	vst v0  }
0x2f: {  	[tilespmem:s6+$0x16610] =	vst v0  }
0x30: {  	[spmem:s10] =	stream.linear.scatter [tilespmem:s19], [sflag:$0x5], $0xED0, $0x38;
	[tilespmem:$0x174D0] =	vst v63  }
0x31: {  	_ =	swait.ge [sflag:s20], $0xED0  }
0x32: {  	[sflag:s20] =	ssyncset.done $0x0  }
0x33: {  	s5 =	rddreg [dreg:$0xa];
	[sflag:s20] =	ssyncadd.s32 $0xFFFFF130  }
0x34: {  	[spmem:s5] =	stream.linear.scatter [tilespmem:s19], [sflag:$0x5], $0xED0, $0x38;
	[tilespmem:$0x174D0] =	vst v63  }
0x35: {  	_ =	swait.ge [sflag:s20], $0xED0  }
0x36: {  	[sflag:s20] =	ssyncset.done $0x0  }
0x37: {  	s7 =	rddreg [dreg:$0xb];
	[sflag:s20] =	ssyncadd.s32 $0xFFFFF130  }
0x38: {  	[spmem:s7] =	stream.linear.scatter [tilespmem:s19], [sflag:$0x5], $0xED0, $0x38;
	[tilespmem:$0x174D0] =	vst v63  }
0x39: {  	_ =	swait.ge [sflag:s20], $0xED0  }
0x3a: {  	[sflag:s20] =	ssyncset.done $0x0  }
0x3b: {  	s8 =	rddreg [dreg:$0xc];
	[sflag:s20] =	ssyncadd.s32 $0xFFFFF130  }
0x3c: {  	[spmem:s8] =	stream.linear.scatter [tilespmem:s19], [sflag:$0x5], $0xED0, $0x38;
	[tilespmem:$0x174D0] =	vst v63  }
0x3d: {  	_ =	swait.ge [sflag:s20], $0xED0  }
0x3e: {  	[sflag:s20] =	ssyncset.done $0x0  }
0x3f: {  	s9 =	rddreg [dreg:$0xd];
	[sflag:s20] =	ssyncadd.s32 $0xFFFFF130  }
0x40: {  	[spmem:s9] =	stream.linear.scatter [tilespmem:s19], [sflag:$0x5], $0xED0, $0x38;
	[tilespmem:$0x174D0] =	vst v63  }
0x41: {  	_ =	swait.ge [sflag:s20], $0xED0  }
0x42: {  	[sflag:s20] =	ssyncset.done $0x0  }
0x43: {  	[sflag:s20] =	ssyncadd.s32 $0xFFFFF130  }
0x44: {  	[spmem:s16] =	stream.linear.scatter [tilespmem:s19], [sflag:$0x5], $0xED0, $0x38;
	[tilespmem:$0x174D0] =	vst v63  }
0x45: {  	_ =	swait.ge [sflag:s20], $0xED0  }
0x46: {  	[sflag:s20] =	ssyncset.done $0x0  }
0x47: {  	[sflag:s20] =	ssyncadd.s32 $0xFFFFF130  }
0x48: {  	[spmem:s17] =	stream.linear.scatter [tilespmem:s19], [sflag:$0x5], $0xED0, $0x38;
	[tilespmem:$0x174D0] =	vst v63  }
0x49: {  	_ =	swait.ge [sflag:s20], $0xED0  }
0x4a: {  	[sflag:s20] =	ssyncset.done $0x0  }
0x4b: {  	[sflag:s20] =	ssyncadd.s32 $0xFFFFF130  }
0x4c: {  	[spmem:s18] =	stream.linear.scatter [tilespmem:s19], [sflag:$0x5], $0xED0, $0x38;
	[tilespmem:$0x174D0] =	vst v63  }
0x4d: {  	_ =	swait.ge [sflag:s20], $0xED0  }
0x4e: {  	[sflag:s20] =	ssyncset.done $0x0  }
0x4f: {  	s5 =	simm.s32 $0x0;
	s11 =	rddreg [dreg:$0x4];
	[sflag:s20] =	ssyncadd.s32 $0xFFFFF130  }
0x50: {  	[tilespmem:s21], [sflag:$0x5] =	stream.linear.gather [hbm4b:s11+s5], $0x2780, $0x38;
	[tilespmem:$0x174D0] =	vst v63  }
0x51: {  	_ =	swait.ge [sflag:s20], $0x2780  }
0x52: {  	[sflag:s20] =	ssyncset.done $0x0  }
0x53: {  	s12 =	rddreg [dreg:$0x5];
	[sflag:s20] =	ssyncadd.s32 $0xFFFFD880  }
0x54: {  	[tilespmem:s22], [sflag:$0x5] =	stream.linear.gather [hbm4b:s12+s5], $0x2780, $0x38;
	[tilespmem:$0x174D0] =	vst v63  }
0x55: {  	_ =	swait.ge [sflag:s20], $0x2780  }
0x56: {  	[sflag:s20] =	ssyncset.done $0x0  }
0x57: {  	[sflag:s20] =	ssyncadd.s32 $0xFFFFD880  }
0x58: {  	[bflag:$0x0] =	sbarrier.arrive $0xFFFF  }
0x59: {  	s13 =	rddreg [dreg:$0x6]  }
0x5a: {  	[tilespmem:s5], [sflag:$0x5] =	stream.linear.gather [hbm4b:s13+s5], $0x2800, $0x38;
	[tilespmem:$0x174D0] =	vst v63  }
0x5b: {  	_ =	swait.ge [sflag:s20], $0x2800  }
0x5c: {  	[sflag:s20] =	ssyncset.done $0x0  }
0x5d: {  	s7 =	simm.s32 $0x2800;
	s14 =	rddreg [dreg:$0x7];
	[sflag:s20] =	ssyncadd.s32 $0xFFFFD800  }
0x5e: {  	[tilespmem:s7], [sflag:$0x5] =	stream.linear.gather [hbm4b:s14+s5], $0x2800, $0x38;
	[tilespmem:$0x174D0] =	vst v63  }
0x5f: {  	_ =	swait.ge [sflag:s20], $0x2800  }
0x60: {  	[sflag:s20] =	ssyncset.done $0x0  }
0x61: {  	s15 =	simm.s32 $0x5000;
	[sflag:s20] =	ssyncadd.s32 $0xFFFFD800  }
0x62: {  	[tilespmem:s15], [sflag:$0x1] =	stream.indirect.gather [hbm4b:s4+s24], $0x20, s5, s24, $0xb8;
	[tilespmem:$0x174D0] =	vst v63  }
0x63: {  	s6 =	simm.s32 $0x0  }
0x64: {  	[tilespmem:s28], [sflag:$0x2] =	stream.indirect.gather [hbm4b:s4+s24], $0x20, s24, s24, $0xb8;
	[tilespmem:$0x174D0] =	vst v63  }
.LBB2_4:
0x65: {  	_ =	swait.ge [sflag:s29], $0x1000  }
0x66: {  	p0 =	seq.s32 s6, $0x0;
	[sflag:s29] =	ssyncset.done $0x0  }
0x67: {  	s7 =	simm.s32 @!p0 $0x3;
	[sflag:s29] =	ssyncadd.s32 $0xFFFFF000  }
0x68: {  	_ =	swait.ge @!p0 [sflag:s7], $0x1800  }
0x69: {  	[sflag:s7] =	ssyncset.done @!p0 $0x0  }
0x6a: {  	s15 =	sshll.u32 s6, $0x8;
	[sflag:s7] =	ssyncadd.s32 @!p0 $0xFFFFE800  }
0x6b: {  	v1 =	vld [tilespmem:s15+$0x0]  }
0x6c: {  	v2 =	vld [tilespmem:s15+$0x2800];
	_ =	sdelay $0x6  }
0x6d: {  	v1 =	vld.idx.msk [tilespmem:v1+s21+$0x0], $0xffff  }
0x6e: {  	v2 =	vld.idx.msk [tilespmem:v2+s22+$0x0], $0xffff;
	_ =	sdelay $0x4  }
0x6f: {  	v1 =	vadd.f32 v2, v1;
	_ =	sdelay $0x1  }
0x70: {  	v2 =	vmul.f32 $2.000000030e-01, v1  }
0x71: {  	vm1 =	vge.f32 v1, $0.0e+00  }
0x72: {  	v1 =	vsel vm1, v1, v2  }
0x73: {  	v1 =	vmul.f32 $1.442695020e+00, v1;
	_ =	sdelay $0x1  }
0x74: {  	(erf) = vpow2.f32 v1;
	_ =	sdelay $0x8  }
0x75: {  	v1 =	vpop (erf)  }
0x76: {  	[tilespmem:$0xEF00] =	vst v1  }
0x77: {  	v1 =	vld [tilespmem:s15+$0x10]  }
0x78: {  	v2 =	vld [tilespmem:s15+$0x2810];
	_ =	sdelay $0x6  }
0x79: {  	v1 =	vld.idx.msk [tilespmem:v1+s21+$0x0], $0xffff  }
0x7a: {  	v2 =	vld.idx.msk [tilespmem:v2+s22+$0x0], $0xffff;
	_ =	sdelay $0x4  }
0x7b: {  	v1 =	vadd.f32 v2, v1;
	_ =	sdelay $0x1  }
0x7c: {  	v2 =	vmul.f32 $2.000000030e-01, v1  }
0x7d: {  	vm1 =	vge.f32 v1, $0.0e+00  }
0x7e: {  	v1 =	vsel vm1, v1, v2  }
0x7f: {  	v1 =	vmul.f32 $1.442695020e+00, v1;
	_ =	sdelay $0x1  }
0x80: {  	(erf) = vpow2.f32 v1;
	_ =	sdelay $0x8  }
0x81: {  	v1 =	vpop (erf)  }
0x82: {  	[tilespmem:$0xEF10] =	vst v1  }
0x83: {  	v1 =	vld [tilespmem:s15+$0x20]  }
0x84: {  	v2 =	vld [tilespmem:s15+$0x2820];
	_ =	sdelay $0x6  }
0x85: {  	v1 =	vld.idx.msk [tilespmem:v1+s21+$0x0], $0xffff  }
0x86: {  	v2 =	vld.idx.msk [tilespmem:v2+s22+$0x0], $0xffff;
	_ =	sdelay $0x4  }
0x87: {  	v1 =	vadd.f32 v2, v1;
	_ =	sdelay $0x1  }
0x88: {  	v2 =	vmul.f32 $2.000000030e-01, v1  }
0x89: {  	vm1 =	vge.f32 v1, $0.0e+00  }
0x8a: {  	v1 =	vsel vm1, v1, v2  }
0x8b: {  	v1 =	vmul.f32 $1.442695020e+00, v1;
	_ =	sdelay $0x1  }
0x8c: {  	(erf) = vpow2.f32 v1;
	_ =	sdelay $0x8  }
0x8d: {  	v1 =	vpop (erf)  }
0x8e: {  	[tilespmem:$0xEF20] =	vst v1  }
0x8f: {  	v1 =	vld [tilespmem:s15+$0x30]  }
0x90: {  	v2 =	vld [tilespmem:s15+$0x2830];
	_ =	sdelay $0x6  }
0x91: {  	v1 =	vld.idx.msk [tilespmem:v1+s21+$0x0], $0xffff  }
0x92: {  	v2 =	vld.idx.msk [tilespmem:v2+s22+$0x0], $0xffff;
	_ =	sdelay $0x4  }
0x93: {  	v1 =	vadd.f32 v2, v1;
	_ =	sdelay $0x1  }
0x94: {  	v2 =	vmul.f32 $2.000000030e-01, v1  }
0x95: {  	vm1 =	vge.f32 v1, $0.0e+00  }
0x96: {  	v1 =	vsel vm1, v1, v2  }
0x97: {  	v1 =	vmul.f32 $1.442695020e+00, v1;
	_ =	sdelay $0x1  }
0x98: {  	(erf) = vpow2.f32 v1;
	_ =	sdelay $0x8  }
0x99: {  	v1 =	vpop (erf)  }
0x9a: {  	[tilespmem:$0xEF30] =	vst v1  }
0x9b: {  	v1 =	vld [tilespmem:s15+$0x40]  }
0x9c: {  	v2 =	vld [tilespmem:s15+$0x2840];
	_ =	sdelay $0x6  }
0x9d: {  	v1 =	vld.idx.msk [tilespmem:v1+s21+$0x0], $0xffff  }
0x9e: {  	v2 =	vld.idx.msk [tilespmem:v2+s22+$0x0], $0xffff;
	_ =	sdelay $0x4  }
0x9f: {  	v1 =	vadd.f32 v2, v1;
	_ =	sdelay $0x1  }
0xa0: {  	v2 =	vmul.f32 $2.000000030e-01, v1  }
0xa1: {  	vm1 =	vge.f32 v1, $0.0e+00  }
0xa2: {  	v1 =	vsel vm1, v1, v2  }
0xa3: {  	v1 =	vmul.f32 $1.442695020e+00, v1;
	_ =	sdelay $0x1  }
0xa4: {  	(erf) = vpow2.f32 v1;
	_ =	sdelay $0x8  }
0xa5: {  	v1 =	vpop (erf)  }
0xa6: {  	[tilespmem:$0xEF40] =	vst v1  }
0xa7: {  	v1 =	vld [tilespmem:s15+$0x50]  }
0xa8: {  	v2 =	vld [tilespmem:s15+$0x2850];
	_ =	sdelay $0x6  }
0xa9: {  	v1 =	vld.idx.msk [tilespmem:v1+s21+$0x0], $0xffff  }
0xaa: {  	v2 =	vld.idx.msk [tilespmem:v2+s22+$0x0], $0xffff;
	_ =	sdelay $0x4  }
0xab: {  	v1 =	vadd.f32 v2, v1;
	_ =	sdelay $0x1  }
0xac: {  	v2 =	vmul.f32 $2.000000030e-01, v1  }
0xad: {  	vm1 =	vge.f32 v1, $0.0e+00  }
0xae: {  	v1 =	vsel vm1, v1, v2  }
0xaf: {  	v1 =	vmul.f32 $1.442695020e+00, v1;
	_ =	sdelay $0x1  }
0xb0: {  	(erf) = vpow2.f32 v1;
	_ =	sdelay $0x8  }
0xb1: {  	v1 =	vpop (erf)  }
0xb2: {  	[tilespmem:$0xEF50] =	vst v1  }
0xb3: {  	v1 =	vld [tilespmem:s15+$0x60]  }
0xb4: {  	v2 =	vld [tilespmem:s15+$0x2860];
	_ =	sdelay $0x6  }
0xb5: {  	v1 =	vld.idx.msk [tilespmem:v1+s21+$0x0], $0xffff  }
0xb6: {  	v2 =	vld.idx.msk [tilespmem:v2+s22+$0x0], $0xffff;
	_ =	sdelay $0x4  }
0xb7: {  	v1 =	vadd.f32 v2, v1;
	_ =	sdelay $0x1  }
0xb8: {  	v2 =	vmul.f32 $2.000000030e-01, v1  }
0xb9: {  	vm1 =	vge.f32 v1, $0.0e+00  }
0xba: {  	v1 =	vsel vm1, v1, v2  }
0xbb: {  	v1 =	vmul.f32 $1.442695020e+00, v1;
	_ =	sdelay $0x1  }
0xbc: {  	(erf) = vpow2.f32 v1;
	_ =	sdelay $0x8  }
0xbd: {  	v1 =	vpop (erf)  }
0xbe: {  	[tilespmem:$0xEF60] =	vst v1  }
0xbf: {  	v1 =	vld [tilespmem:s15+$0x70]  }
0xc0: {  	v2 =	vld [tilespmem:s15+$0x2870];
	_ =	sdelay $0x6  }
0xc1: {  	v1 =	vld.idx.msk [tilespmem:v1+s21+$0x0], $0xffff  }
0xc2: {  	v2 =	vld.idx.msk [tilespmem:v2+s22+$0x0], $0xffff;
	_ =	sdelay $0x4  }
0xc3: {  	v1 =	vadd.f32 v2, v1;
	_ =	sdelay $0x1  }
0xc4: {  	v2 =	vmul.f32 $2.000000030e-01, v1  }
0xc5: {  	vm1 =	vge.f32 v1, $0.0e+00  }
0xc6: {  	v1 =	vsel vm1, v1, v2  }
0xc7: {  	v1 =	vmul.f32 $1.442695020e+00, v1;
	_ =	sdelay $0x1  }
0xc8: {  	(erf) = vpow2.f32 v1;
	_ =	sdelay $0x6  }
0xc9: {  	v1 =	vmov s5;
	_ =	sdelay $0x1  }
0xca: {  	v2 =	vpop (erf)  }
0xcb: {  	s7 =	simm.s32 $0x5010;
	[tilespmem:$0xEF70] =	vst v2  }
0xcc: {  	v2 =	vld [tilespmem:s7+$0x0]  }
0xcd: {  	v5 =	vld.idx.msk [tilespmem:v1+s30+$0x0], $0xffff  }
0xce: {  	v1 =	vld [tilespmem:s7+$0xFFFFFFF0];
	_ =	sdelay $0x4  }
0xcf: {  	v2 =	vunpack.i.l.bf16.f32 v2;
	v3 =	vunpack.i.l.bf16.f32 v1  }
0xd0: {  	s8 =	sshll.u32 s6, $0x1;
	s9 =	simm.s32 $0x1;
	v6 =	vunpack.i.u.bf16.f32 v1;
	v2 =	vnsel vm0, $0x3F800000, v2;
	v3 =	vmul.f32 v3, v5  }
0xd1: {  	s11 =	simm.s32 $0x7020;
	s12 =	simm.s32 $0x2;
	v1 =	vmov s9;
	s9 =	simm.s32 $0x7020;
	v4 =	vmul.f32 v2, v5;
	v2 =	vmul.f32 v6, v5  }
.LBB2_5:
0xd2: {  	s9 =	sadd.s32 $0x30, s9  }
0xd3: {  	[tilespmem:s11+$0x0] =	vst v4;
	s7 =	sadd.s32 $0x20, s7;
	s13 =	smov.u32 s12;
	s14 =	sadd.s32 $0x1, s12  }
0xd4: {  	p1 =	sne.s32 s12, $0x7F;
	[tilespmem:s11+$0xFFFFFFE0] =	vst v3  }
0xd5: {  	[tilespmem:s11+$0xFFFFFFF0] =	vst v2;
	s11 =	smov.u32 s9  }
0xd6: {  	v2 =	vld [tilespmem:s7+$0x0]  }
0xd7: {  	v5 =	vld.idx.msk [tilespmem:v1+s30+$0x0], $0xffff  }
0xd8: {  	v1 =	vld [tilespmem:s7+$0xFFFFFFF0];
	_ =	sdelay $0x1  }
.Ltmp3:
0xd9: {  	(pc) =	sbr.rel @p1 .LBB2_5-.Ltmp3, $4  }
0xda: {  	v2 =	vunpack.i.l.bf16.f32 v2  }
0xdb: {  	v2 =	vnsel vm0, $0x3F800000, v2  }
0xdc: {  	v6 =	vunpack.i.u.bf16.f32 v1;
	v3 =	vunpack.i.l.bf16.f32 v1;
	v4 =	vmul.f32 v2, v5  }
0xdd: {  	s12 =	smov.u32 s14;
	v1 =	vmov s13;
	v3 =	vmul.f32 v3, v5;
	v2 =	vmul.f32 v6, v5  }
0xde: {  	[tilespmem:s11+$0x0] =	vst v4  }
0xdf: {  	[tilespmem:s11+$0xFFFFFFE0] =	vst v3  }
0xe0: {  	s7 =	sadd.s32 $0x20, s7;
	[tilespmem:s11+$0xFFFFFFF0] =	vst v2  }
0xe1: {  	v2 =	vld [tilespmem:s7+$0x0]  }
0xe2: {  	v3 =	vld [tilespmem:s7+$0xFFFFFFF0]  }
0xe3: {  	v1 =	vld.idx.msk [tilespmem:v1+s30+$0x0], $0xffff;
	_ =	sdelay $0x3  }
0xe4: {  	v2 =	vunpack.i.l.bf16.f32 v2;
	v4 =	vunpack.i.l.bf16.f32 v3  }
0xe5: {  	v2 =	vnsel vm0, $0x3F800000, v2;
	v4 =	vmul.f32 v4, v1  }
0xe6: {  	s9 =	sadd.s32 $0x30, s9;
	v3 =	vunpack.i.u.bf16.f32 v3;
	v2 =	vmul.f32 v2, v1  }
0xe7: {  	s11 =	sshll.u32 s6, $0xA;
	v1 =	vmul.f32 v3, v1;
	[tilespmem:s9+$0xFFFFFFE0] =	vst v4  }
0xe8: {  	p1 =	seq.s32 s6, $0x27;
	s7 =	sshrl.u32 s11, $0x2;
	[tilespmem:s9+$0x0] =	vst v2  }
0xe9: {  	s13 =	sadd.s32 $0x2800, s7;
	[tilespmem:s9+$0xFFFFFFF0] =	vst v1;
	s9 =	sshrl.u32 @!p1 s11, $0x2  }
0xea: {  	[spmem:s1] =	stream.indirect.scatter.add.f32 [tilespmem:s31], [sflag:$0x3], $0x30, s13, s24, $0xb8;
	[tilespmem:$0x174D0] =	vst v63  }
0xeb: {  	s12 =	simm.s32 @!p1 $0x5000;
	s11 =	simm.s32 @!p1 $0x80;
	s9 =	sadd.s32 @!p1 $0x100, s9  }
0xec: {  	[tilespmem:s12], [sflag:$0x1] =	stream.indirect.gather @!p1 [hbm4b:s4+s11], $0x20, s9, s11, $0xb8;
	[tilespmem:$0x174D0] =	vst v63  }
0xed: {  	_ =	swait.ge [sflag:s0], $0x1000  }
0xee: {  	[sflag:s0] =	ssyncset.done $0x0  }
0xef: {  	s9 =	simm.s32 @!p0 $0x4;
	[sflag:s0] =	ssyncadd.s32 $0xFFFFF000  }
0xf0: {  	_ =	swait.ge @!p0 [sflag:s9], $0x1800  }
0xf1: {  	s8 =	sor.u32 $0x1, s8;
	[sflag:s9] =	ssyncset.done @!p0 $0x0  }
0xf2: {  	s8 =	sshll.u32 s8, $0x7;
	[sflag:s9] =	ssyncadd.s32 @!p0 $0xFFFFE800  }
0xf3: {  	v1 =	vld [tilespmem:s8+$0x0]  }
0xf4: {  	v2 =	vld [tilespmem:s8+$0x2800];
	_ =	sdelay $0x6  }
0xf5: {  	v1 =	vld.idx.msk [tilespmem:v1+s21+$0x0], $0xffff  }
0xf6: {  	v2 =	vld.idx.msk [tilespmem:v2+s22+$0x0], $0xffff;
	_ =	sdelay $0x4  }
0xf7: {  	v1 =	vadd.f32 v2, v1;
	_ =	sdelay $0x1  }
0xf8: {  	v2 =	vmul.f32 $2.000000030e-01, v1  }
0xf9: {  	vm1 =	vge.f32 v1, $0.0e+00  }
0xfa: {  	v1 =	vsel vm1, v1, v2  }
0xfb: {  	v1 =	vmul.f32 $1.442695020e+00, v1;
	_ =	sdelay $0x1  }
0xfc: {  	(erf) = vpow2.f32 v1;
	_ =	sdelay $0x8  }
0xfd: {  	v1 =	vpop (erf)  }
0xfe: {  	[tilespmem:$0xEF00] =	vst v1  }
0xff: {  	v1 =	vld [tilespmem:s8+$0x10]  }
0x100: {  	v2 =	vld [tilespmem:s8+$0x2810];
	_ =	sdelay $0x6  }
0x101: {  	v1 =	vld.idx.msk [tilespmem:v1+s21+$0x0], $0xffff  }
0x102: {  	v2 =	vld.idx.msk [tilespmem:v2+s22+$0x0], $0xffff;
	_ =	sdelay $0x4  }
0x103: {  	v1 =	vadd.f32 v2, v1;
	_ =	sdelay $0x1  }
0x104: {  	v2 =	vmul.f32 $2.000000030e-01, v1  }
0x105: {  	vm1 =	vge.f32 v1, $0.0e+00  }
0x106: {  	v1 =	vsel vm1, v1, v2  }
0x107: {  	v1 =	vmul.f32 $1.442695020e+00, v1;
	_ =	sdelay $0x1  }
0x108: {  	(erf) = vpow2.f32 v1;
	_ =	sdelay $0x8  }
0x109: {  	v1 =	vpop (erf)  }
0x10a: {  	[tilespmem:$0xEF10] =	vst v1  }
0x10b: {  	v1 =	vld [tilespmem:s8+$0x20]  }
0x10c: {  	v2 =	vld [tilespmem:s8+$0x2820];
	_ =	sdelay $0x6  }
0x10d: {  	v1 =	vld.idx.msk [tilespmem:v1+s21+$0x0], $0xffff  }
0x10e: {  	v2 =	vld.idx.msk [tilespmem:v2+s22+$0x0], $0xffff;
	_ =	sdelay $0x4  }
0x10f: {  	v1 =	vadd.f32 v2, v1;
	_ =	sdelay $0x1  }
0x110: {  	v2 =	vmul.f32 $2.000000030e-01, v1  }
0x111: {  	vm1 =	vge.f32 v1, $0.0e+00  }
0x112: {  	v1 =	vsel vm1, v1, v2  }
0x113: {  	v1 =	vmul.f32 $1.442695020e+00, v1;
	_ =	sdelay $0x1  }
0x114: {  	(erf) = vpow2.f32 v1;
	_ =	sdelay $0x8  }
0x115: {  	v1 =	vpop (erf)  }
0x116: {  	[tilespmem:$0xEF20] =	vst v1  }
0x117: {  	v1 =	vld [tilespmem:s8+$0x30]  }
0x118: {  	v2 =	vld [tilespmem:s8+$0x2830];
	_ =	sdelay $0x6  }
0x119: {  	v1 =	vld.idx.msk [tilespmem:v1+s21+$0x0], $0xffff  }
0x11a: {  	v2 =	vld.idx.msk [tilespmem:v2+s22+$0x0], $0xffff;
	_ =	sdelay $0x4  }
0x11b: {  	v1 =	vadd.f32 v2, v1;
	_ =	sdelay $0x1  }
0x11c: {  	v2 =	vmul.f32 $2.000000030e-01, v1  }
0x11d: {  	vm1 =	vge.f32 v1, $0.0e+00  }
0x11e: {  	v1 =	vsel vm1, v1, v2  }
0x11f: {  	v1 =	vmul.f32 $1.442695020e+00, v1;
	_ =	sdelay $0x1  }
0x120: {  	(erf) = vpow2.f32 v1;
	_ =	sdelay $0x8  }
0x121: {  	v1 =	vpop (erf)  }
0x122: {  	[tilespmem:$0xEF30] =	vst v1  }
0x123: {  	v1 =	vld [tilespmem:s8+$0x40]  }
0x124: {  	v2 =	vld [tilespmem:s8+$0x2840];
	_ =	sdelay $0x6  }
0x125: {  	v1 =	vld.idx.msk [tilespmem:v1+s21+$0x0], $0xffff  }
0x126: {  	v2 =	vld.idx.msk [tilespmem:v2+s22+$0x0], $0xffff;
	_ =	sdelay $0x4  }
0x127: {  	v1 =	vadd.f32 v2, v1;
	_ =	sdelay $0x1  }
0x128: {  	v2 =	vmul.f32 $2.000000030e-01, v1  }
0x129: {  	vm1 =	vge.f32 v1, $0.0e+00  }
0x12a: {  	v1 =	vsel vm1, v1, v2  }
0x12b: {  	v1 =	vmul.f32 $1.442695020e+00, v1;
	_ =	sdelay $0x1  }
0x12c: {  	(erf) = vpow2.f32 v1;
	_ =	sdelay $0x8  }
0x12d: {  	v1 =	vpop (erf)  }
0x12e: {  	[tilespmem:$0xEF40] =	vst v1  }
0x12f: {  	v1 =	vld [tilespmem:s8+$0x50]  }
0x130: {  	v2 =	vld [tilespmem:s8+$0x2850];
	_ =	sdelay $0x6  }
0x131: {  	v1 =	vld.idx.msk [tilespmem:v1+s21+$0x0], $0xffff  }
0x132: {  	v2 =	vld.idx.msk [tilespmem:v2+s22+$0x0], $0xffff;
	_ =	sdelay $0x4  }
0x133: {  	v1 =	vadd.f32 v2, v1;
	_ =	sdelay $0x1  }
0x134: {  	v2 =	vmul.f32 $2.000000030e-01, v1  }
0x135: {  	vm1 =	vge.f32 v1, $0.0e+00  }
0x136: {  	v1 =	vsel vm1, v1, v2  }
0x137: {  	v1 =	vmul.f32 $1.442695020e+00, v1;
	_ =	sdelay $0x1  }
0x138: {  	(erf) = vpow2.f32 v1;
	_ =	sdelay $0x8  }
0x139: {  	v1 =	vpop (erf)  }
0x13a: {  	[tilespmem:$0xEF50] =	vst v1  }
0x13b: {  	v1 =	vld [tilespmem:s8+$0x60]  }
0x13c: {  	v2 =	vld [tilespmem:s8+$0x2860];
	_ =	sdelay $0x6  }
0x13d: {  	v1 =	vld.idx.msk [tilespmem:v1+s21+$0x0], $0xffff  }
0x13e: {  	v2 =	vld.idx.msk [tilespmem:v2+s22+$0x0], $0xffff;
	_ =	sdelay $0x4  }
0x13f: {  	v1 =	vadd.f32 v2, v1;
	_ =	sdelay $0x1  }
0x140: {  	v2 =	vmul.f32 $2.000000030e-01, v1  }
0x141: {  	vm1 =	vge.f32 v1, $0.0e+00  }
0x142: {  	v1 =	vsel vm1, v1, v2  }
0x143: {  	v1 =	vmul.f32 $1.442695020e+00, v1;
	_ =	sdelay $0x1  }
0x144: {  	(erf) = vpow2.f32 v1;
	_ =	sdelay $0x8  }
0x145: {  	v1 =	vpop (erf)  }
0x146: {  	[tilespmem:$0xEF60] =	vst v1  }
0x147: {  	v1 =	vld [tilespmem:s8+$0x70]  }
0x148: {  	v2 =	vld [tilespmem:s8+$0x2870];
	_ =	sdelay $0x6  }
0x149: {  	v1 =	vld.idx.msk [tilespmem:v1+s21+$0x0], $0xffff  }
0x14a: {  	v2 =	vld.idx.msk [tilespmem:v2+s22+$0x0], $0xffff;
	_ =	sdelay $0x4  }
0x14b: {  	v1 =	vadd.f32 v2, v1;
	_ =	sdelay $0x1  }
0x14c: {  	v2 =	vmul.f32 $2.000000030e-01, v1  }
0x14d: {  	vm1 =	vge.f32 v1, $0.0e+00  }
0x14e: {  	v1 =	vsel vm1, v1, v2  }
0x14f: {  	v1 =	vmul.f32 $1.442695020e+00, v1;
	_ =	sdelay $0x1  }
0x150: {  	(erf) = vpow2.f32 v1;
	_ =	sdelay $0x5  }
0x151: {  	s14 =	simm.s32 $0x0  }
0x152: {  	v1 =	vmov s14;
	_ =	sdelay $0x1  }
0x153: {  	v2 =	vpop (erf)  }
0x154: {  	s9 =	simm.s32 $0x6010;
	[tilespmem:$0xEF70] =	vst v2  }
0x155: {  	v2 =	vld [tilespmem:s9+$0x0]  }
0x156: {  	v5 =	vld.idx.msk [tilespmem:v1+s30+$0x0], $0xffff  }
0x157: {  	v1 =	vld [tilespmem:s9+$0xFFFFFFF0];
	_ =	sdelay $0x4  }
0x158: {  	v2 =	vunpack.i.l.bf16.f32 v2;
	v3 =	vunpack.i.l.bf16.f32 v1  }
0x159: {  	s15 =	simm.s32 $0x1;
	v6 =	vunpack.i.u.bf16.f32 v1;
	v2 =	vnsel vm0, $0x3F800000, v2;
	v3 =	vmul.f32 v3, v5  }
0x15a: {  	s13 =	simm.s32 $0x2;
	s12 =	simm.s32 $0x8820;
	s11 =	simm.s32 $0x8820;
	v1 =	vmov s15;
	v4 =	vmul.f32 v2, v5;
	v2 =	vmul.f32 v6, v5  }
.LBB2_7:
0x15b: {  	s11 =	sadd.s32 $0x30, s11  }
0x15c: {  	[tilespmem:s12+$0x0] =	vst v4;
	s9 =	sadd.s32 $0x20, s9;
	s14 =	smov.u32 s13;
	s15 =	sadd.s32 $0x1, s13  }
0x15d: {  	p0 =	sne.s32 s13, $0x7F;
	[tilespmem:s12+$0xFFFFFFE0] =	vst v3  }
0x15e: {  	[tilespmem:s12+$0xFFFFFFF0] =	vst v2;
	s12 =	smov.u32 s11  }
0x15f: {  	v2 =	vld [tilespmem:s9+$0x0]  }
0x160: {  	v5 =	vld.idx.msk [tilespmem:v1+s30+$0x0], $0xffff  }
0x161: {  	v1 =	vld [tilespmem:s9+$0xFFFFFFF0];
	_ =	sdelay $0x1  }
.Ltmp4:
0x162: {  	(pc) =	sbr.rel @p0 .LBB2_7-.Ltmp4, $4  }
0x163: {  	v2 =	vunpack.i.l.bf16.f32 v2  }
0x164: {  	v2 =	vnsel vm0, $0x3F800000, v2  }
0x165: {  	v6 =	vunpack.i.u.bf16.f32 v1;
	v3 =	vunpack.i.l.bf16.f32 v1;
	v4 =	vmul.f32 v2, v5  }
0x166: {  	s13 =	smov.u32 s15;
	v1 =	vmov s14;
	v3 =	vmul.f32 v3, v5;
	v2 =	vmul.f32 v6, v5  }
0x167: {  	[tilespmem:s12+$0x0] =	vst v4  }
0x168: {  	[tilespmem:s12+$0xFFFFFFE0] =	vst v3  }
0x169: {  	s9 =	sadd.s32 $0x20, s9;
	[tilespmem:s12+$0xFFFFFFF0] =	vst v2  }
0x16a: {  	v2 =	vld [tilespmem:s9+$0x0]  }
0x16b: {  	v3 =	vld [tilespmem:s9+$0xFFFFFFF0]  }
0x16c: {  	v1 =	vld.idx.msk [tilespmem:v1+s30+$0x0], $0xffff;
	_ =	sdelay $0x3  }
0x16d: {  	v2 =	vunpack.i.l.bf16.f32 v2;
	v63 =	vunpack.i.l.bf16.f32 v3  }
0x16e: {  	v2 =	vnsel vm0, $0x3F800000, v2;
	v4 =	vmul.f32 v63, v1  }
.Ltmp5:
0x16f: {  	s15 =	sadd.s32 $0x30, s11;
	v3 =	vunpack.i.u.bf16.f32 v3;
	v2 =	vmul.f32 v2, v1;
	(pc) =	sbr.rel @p1 .LBB2_10-.Ltmp5, $4  }
0x170: {  	v1 =	vmul.f32 v3, v1;
	[tilespmem:s15+$0xFFFFFFE0] =	vst v4  }
0x171: {  	s8 =	sand.u32 $0x3FFFFF80, s8;
	[tilespmem:s15+$0x0] =	vst v2  }
0x172: {  	s8 =	sadd.s32 $0x2800, s8;
	[tilespmem:s15+$0xFFFFFFF0] =	vst v1  }
0x173: {  	[spmem:s1] =	stream.indirect.scatter.add.f32 [tilespmem:s23], [sflag:$0x4], $0x30, s8, s24, $0xb8;
	[tilespmem:$0x174D0] =	vst v63  }
.Ltmp6:
0x174: {  	(pc) =	sbr.rel .LBB2_4-.Ltmp6, $3  }
0x175: {  	_ =	sdelay $0x1  }
0x176: {  	s7 =	sadd.s32 $0x180, s7;
	s6 =	sadd.s32 $0x1, s6  }
0x177: {  	[tilespmem:s28], [sflag:$0x2] =	stream.indirect.gather [hbm4b:s4+s24], $0x20, s7, s24, $0xb8;
	[tilespmem:$0x174D0] =	vst v63  }
.LBB2_11:
0x178: {  	_ =	sfence.sel $0x180000  }
0x179: {  	[bflag:$0x0] =	sbarrier.arrive $0xFFFF  }
0x17a: {  	_ =	strace $0x9000004A  }
0x17b: {  	s0 =	stileid.u32;
	[bflag:$0x2] =	sbarrier.arrive $0xFFFF  }
0x17c: {  	p0 =	sne.s32 s0, $0x0;
	s0 =	rddreg [dreg:$0x3]  }
0x17d: {  	s0 =	sadd.s32 @!p0 $0x100000, s0  }
0x17e: {  	[sflag:s0] =	ssyncadd.tile.s32 @!p0 $0x1;
	_ =	shalt  }
.Lfunc_end2:
_tile_overlayer_lowered:
.L_overlay_start_2:
0x17f: {  	(tag) =	ssettag $0x2  }
0x180: {  	s0 =	rddreg [dreg:$0x0];
	s2 =	stileid.u32  }
0x181: {  	s1 =	rddreg [dreg:$0x1];
	p0 =	sne.s32 s2, $0x0  }
0x182: {  	s3 =	rddreg [dreg:$0x2];
	[bflag:$0x3] =	sbarrier.arrive $0xFFFF;
	s2 =	simm.s32 @!p0 $0x1C05  }
0x183: {  	[timem:s3], [sflag:s2] =	dma.local @!p0 [hbm:s0], s1  }
0x184: {  	s0 =	simm.s32 @!p0 $0x5  }
0x185: {  	_ =	swait.ge @!p0 [sflag:s0], s1  }
0x186: {  	s1 =	ssub.s32 @!p0 $0x0, s1;
	[sflag:s0] =	ssyncset.done @!p0 $0x0  }
0x187: {  	[sflag:s0] =	ssyncadd.s32 @!p0 s1  }
0x188: {  	[bflag:$0x3] =	sbarrier.arrive $0xFFFF  }
0x189: {  	_ =	shalt  }

// kernel: kernel.7.cloned.1.call-start
scs
__scs_entry_jumppad:
0x0: {  	(pc) =	sbr.rel $0x88, $3  }
0x1: {  	(tag) =	ssettag $0x0;
	lr =	simm.s32 $0x1  }
0x2: {  	[smem:$0x3F97] =	sst lr;
	_ =	strace $0xD0000000  }
0x3: {  	_ = 	snop  }
0x4: {  	_ = 	snop  }
0x5: {  	_ = 	snop  }
0x6: {  	_ = 	snop  }
0x7: {  	_ = 	snop  }
__scs_overlays_trampoline_lowered:
0x8: {  	[smem:$0x3FA6] =	sst s0  }
0x9: {  	[smem:$0x3FA7] =	sst s1  }
0xa: {  	[smem:$0x3FA8] =	sst s2  }
0xb: {  	[smem:$0x3FA9] =	sst s3  }
0xc: {  	[smem:$0x3FAA] =	sst s4  }
0xd: {  	[smem:$0x3FAB] =	sst s5  }
0xe: {  	[smem:$0x3FAC] =	sst s6  }
0xf: {  	[smem:$0x3FAD] =	sst s7  }
0x10: {  	[smem:$0x3FAE] =	sst s8  }
0x11: {  	[smem:$0x3FAF] =	sst s9;
	s0 =	simm.s32 @!p0 $0x0  }
0x12: {  	s1 =	sld [smem:$0x3F95];
	s0 =	simm.s32 @p0 $0x1  }
0x13: {  	[smem:$0x3FB0] =	sst s0;
	s0 =	simm.s32 @!p1 $0x0  }
0x14: {  	s2 =	sld [smem:$0x3F94];
	s0 =	simm.s32 @p1 $0x1  }
0x15: {  	[smem:$0x3FB1] =	sst s0;
	s0 =	simm.s32 @!p2 $0x0  }
0x16: {  	s3 =	sld [smem:$0x3FDB];
	s0 =	simm.s32 @p2 $0x1  }
0x17: {  	s4 =	simm.s32 $0x1BF5;
	[smem:$0x3FB3] =	sst s0  }
0x18: {  	s0 =	sld [smem:$0x3F96];
	_ =	swait.ge [sflag:s4], $0x0  }
0x19: {  	s7 =	sld [smem:$0x3F97]  }
0x1a: {  	s8 =	sadd.s32 $0xFFFFE003, lr  }
0x1b: {  	s9 =	sadd.s32 $0xFFFFFEF7, lr;
	s5 =	simm.s32 $0xFFFFFFFF;
	p2 =	slt.u32 s8, $0xFFFFF086  }
0x1c: {  	p1 =	slt.u32 s9, $0xF7A;
	s5 =	simm.s32 @!p2 $0x0  }
0x1d: {  	s5 =	simm.s32 @p1 $0x1;
	p0 =	seq.s32 s7, s2  }
0x1e: {  	s7 =	smul.u32 @!p0 $0xF7A, s2;
	p2 =	seq.s32 @!p0 s5, $0x0  }
0x1f: {  	s9 =	smul.u32 $0xF7A, s1;
	s8 =	simm.s32 @!p0 $0x1BF5;
	p2 =	por !p2, p0  }
0x20: {  	[sflag:s8] =	ssyncset.s32 @!p0 $0xFFFFF086;
	s6 =	sadd.s32 @!p0 s3, s7;
	s7 =	simm.s32 @!p0 $0x108  }
0x21: {  	s3 =	sadd.s32 s3, s9;
	s6 =	sadd.s32 @!p0 $0x88, s6;
	s7 =	simm.s32 @p2 $0x1082  }
0x22: {  	[simem:s7], [sflag:s8] =	dma.local @!p0 [hbm:s6], $0xF7A  }
0x23: {  	s9 =	sor.u32 $0xD0000000, s2;
	s6 =	simm.s32 $0x108;
	_ =	swait.ge @!p0 [sflag:s8], $0x0  }
0x24: {  	s3 =	sadd.s32 $0x88, s3;
	s6 =	simm.s32 @!p1 $0x1082;
	[sflag:s4] =	ssyncset.s32 $0xFFFFF086  }
0x25: {  	[simem:s6], [sflag:s4] =	dma.local [hbm:s3], $0xF7A  }
0x26: {  	[smem:$0x3F97] =	sst s1;
	(tag) =	ssettag s2;
	_ =	strace s9  }
0x27: {  	s1 =	sld [smem:$0x3FA7]  }
0x28: {  	s2 =	sld [smem:$0x3FA8]  }
0x29: {  	s4 =	sld [smem:$0x3FAA]  }
0x2a: {  	p0 =	seq.s32 s5, $0x0;
	s5 =	sld [smem:$0x3FAB]  }
0x2b: {  	s6 =	sld [smem:$0x3FAC]  }
0x2c: {  	s7 =	sld [smem:$0x3FAD]  }
0x2d: {  	s3 =	simm.s32 $0x108;
	s8 =	sld [smem:$0x3FAE]  }
0x2e: {  	s3 =	simm.s32 @!p0 $0x1082;
	s9 =	sld [smem:$0x3FAF]  }
0x2f: {  	lr =	sadd.s32 s0, s3;
	s0 =	sld [smem:$0x3FA6]  }
0x30: {  	s3 =	sld [smem:$0x3FA9]  }
0x31: {  	[smem:$0x3FB2] =	sst s10  }
0x32: {  	s10 =	sld [smem:$0x3FB0];
	_ =	sdelay $0x3  }
0x33: {  	p0 =	seq.s32 s10, $0x1;
	s10 =	sld [smem:$0x3FB2];
	_ =	sdelay $0x3  }
0x34: {  	[smem:$0x3FB2] =	sst s10  }
0x35: {  	s10 =	sld [smem:$0x3FB1];
	_ =	sdelay $0x3  }
0x36: {  	p1 =	seq.s32 s10, $0x1;
	s10 =	sld [smem:$0x3FB2];
	_ =	sdelay $0x3  }
0x37: {  	[smem:$0x3FB2] =	sst s10  }
0x38: {  	s10 =	sld [smem:$0x3FB3]  }
0x39: {  	_ = 	snop;
	(pc) =	sbr.ind lr, $3  }
0x3a: {  	_ = 	snop  }
0x3b: {  	_ = 	snop  }
0x3c: {  	p2 =	seq.s32 s10, $0x1;
	s10 =	sld [smem:$0x3FB2]  }
0x3d: {  	_ =	shalt  }
0x3e: {  	_ =	shalt  }
0x3f: {  	_ =	shalt  }
0x40: {  	_ =	shalt  }
0x41: {  	_ =	shalt  }
0x42: {  	_ =	shalt  }
0x43: {  	_ =	shalt  }
0x44: {  	_ =	shalt  }
0x45: {  	_ =	shalt  }
0x46: {  	_ =	shalt  }
0x47: {  	_ =	shalt  }
0x48: {  	_ =	shalt  }
0x49: {  	_ =	shalt  }
0x4a: {  	_ =	shalt  }
0x4b: {  	_ =	shalt  }
0x4c: {  	_ =	shalt  }
0x4d: {  	_ =	shalt  }
0x4e: {  	_ =	shalt  }
0x4f: {  	_ =	shalt  }
0x50: {  	_ =	shalt  }
0x51: {  	_ =	shalt  }
0x52: {  	_ =	shalt  }
0x53: {  	_ =	shalt  }
0x54: {  	_ =	shalt  }
0x55: {  	_ =	shalt  }
0x56: {  	_ =	shalt  }
0x57: {  	_ =	shalt  }
0x58: {  	_ =	shalt  }
0x59: {  	_ =	shalt  }
0x5a: {  	_ =	shalt  }
0x5b: {  	_ =	shalt  }
0x5c: {  	_ =	shalt  }
0x5d: {  	_ =	shalt  }
0x5e: {  	_ =	shalt  }
0x5f: {  	_ =	shalt  }
0x60: {  	_ =	shalt  }
0x61: {  	_ =	shalt  }
0x62: {  	_ =	shalt  }
0x63: {  	_ =	shalt  }
0x64: {  	_ =	shalt  }
0x65: {  	_ =	shalt  }
0x66: {  	_ =	shalt  }
0x67: {  	_ =	shalt  }
0x68: {  	_ =	shalt  }
0x69: {  	_ =	shalt  }
0x6a: {  	_ =	shalt  }
0x6b: {  	_ =	shalt  }
0x6c: {  	_ =	shalt  }
0x6d: {  	_ =	shalt  }
0x6e: {  	_ =	shalt  }
0x6f: {  	_ =	shalt  }
0x70: {  	_ =	shalt  }
0x71: {  	_ =	shalt  }
0x72: {  	_ =	shalt  }
0x73: {  	_ =	shalt  }
0x74: {  	_ =	shalt  }
0x75: {  	_ =	shalt  }
0x76: {  	_ =	shalt  }
0x77: {  	_ =	shalt  }
0x78: {  	_ =	shalt  }
0x79: {  	_ =	shalt  }
0x7a: {  	_ =	shalt  }
0x7b: {  	_ =	shalt  }
0x7c: {  	_ =	shalt  }
0x7d: {  	_ =	shalt  }
0x7e: {  	_ =	shalt  }
0x7f: {  	_ =	shalt  }
0x80: {  	_ =	shalt  }
0x81: {  	_ =	shalt  }
0x82: {  	_ =	shalt  }
0x83: {  	_ =	shalt  }
0x84: {  	_ =	shalt  }
0x85: {  	_ =	shalt  }
0x86: {  	_ =	shalt  }
0x87: {  	_ =	shalt  }
.Lfunc_end0:
.L_simem_size_0:
called_computation_lowered:
.L_overlay_start_0:
0x88: {  	s2 =	sld [smem:$0x3FD9]  }
0x89: {  	s3 =	sld [smem:$0x3FFE];
	_ =	sdelay $0x1  }
0x8a: {  	s1 =	srdreg.scid  }
0x8b: {  	s0 =	sand.u32 $0x1, s1  }
0x8c: {  	s17 =	sshll.u32 s0, $0xA;
	s2 =	sadd.s32 s3, s2  }
0x8d: {  	s2 =	sadd.s32 s2, s17  }
0x8e: {  	[smem:$0x3FBE] =	sst s2  }
0x8f: {  	_ = 	snop  }
0x90: {  	s2 =	sld [smem:$0x3FD0];
	(tm) =	ssettm $0x1  }
0x91: {  	s18 =	sld [smem:$0x3FFB];
	_ =	sdelay $0x3  }
0x92: {  	_ =	strace s18  }
0x93: {  	s3 =	sld [smem:$0x3FFC];
	_ =	sdelay $0x3  }
0x94: {  	_ =	strace s3  }
0x95: {  	s3 =	sld [smem:$0x3FFD];
	_ =	sdelay $0x3  }
0x96: {  	_ =	strace s3  }
0x97: {  	_ =	strace $0x8FFFFFFF  }
0x98: {  	s19 =	sld [smem:$0x3FDB];
	_ =	sdelay $0x1  }
0x99: {  	s4 =	simm.s32 $_scs_section_size  }
0x9a: {  	s5 =	simm.s32 $_size__tile_overlayer_lowered;
	s6 =	simm.s32 $_tile_overlayer_lowered  }
0x9b: {  	s22 =	simm.s32 $0x1BFF;
	s21 =	sshll.u32 s6, $0x1;
	s3 =	sadd.s32 s4, s19  }
0x9c: {  	s7 =	simm.s32 $0x0;
	s20 =	sshll.u32 s5, $0x1;
	s5 =	sadd.s32 s21, s3  }
0x9d: {  	[timem:s7], [sflag:s22] =	dma.local [hbm:s5], s20  }
0x9e: {  	_ =	swait.ge [sflag:s22], s20  }
0x9f: {  	s4 =	ssub.s32 $0x0, s20;
	[sflag:s22] =	ssyncset.done $0x0  }
0xa0: {  	[sflag:s22] =	ssyncadd.s32 s4;
	_ =	sdelay $0x1  }
0xa1: {  	s23 =	simm.s32 $0x1B8B  }
0xa2: {  	_ =	swait.ge [sflag:s23], $0x1  }
0xa3: {  	[sflag:s23] =	ssyncset.done $0x0  }
0xa4: {  	s25 =	simm.s32 $0x1B8E;
	s24 =	sld [smem:$0x3FFE];
	[sflag:s23] =	ssyncadd.s32 $0xFFFFFFFF  }
0xa5: {  	s26 =	simm.s32 $execute0_lowered;
	[smem:$0x3FD2] =	sst s25  }
0xa6: {  	s5 =	sshll.u32 s26, $0x1;
	_ =	strace $0x80000046;
	[dreg:$0x1] =	wrdreg $0xFFFFFFFF  }
0xa7: {  	s28 =	simm.s32 $_size_execute0_lowered;
	s3 =	sadd.s32 s3, s5;
	[dreg:$0x0] =	wrdreg $0x0  }
0xa8: {  	s5 =	sshll.u32 s28, $0x1;
	[dreg:$0x2] =	wrdreg s3  }
0xa9: {  	[dreg:$0x3] =	wrdreg s5  }
0xaa: {  	[dreg:$0x4] =	wrdreg $0xC0  }
0xab: {  	_ =	task [dreg:s7], $0x5FFFF  }
0xac: {  	[dreg:$0x1] =	wrdreg $0xFFFFFFFF  }
0xad: {  	[dreg:$0x0] =	wrdreg $0x60  }
0xae: {  	[dreg:$0x2] =	wrdreg s24  }
0xaf: {  	[dreg:$0x3] =	wrdreg s2  }
0xb0: {  	[dreg:$0x4] =	wrdreg $0xE0000  }
0xb1: {  	[dreg:$0x5] =	wrdreg $0x9  }
0xb2: {  	_ =	task.clear_ibuf [dreg:s7], $0x6FFFF;
	_ =	strace $0x90000046  }
0xb3: {  	s29 =	simm.s32 $0x9;
	_ =	strace $0x80000048  }
0xb4: {  	_ =	swait.ge [sflag:s29], $0x1  }
0xb5: {  	[sflag:s29] =	ssyncadd.s32 $0xFFFFFFFF  }
0xb6: {  	_ =	strace $0x90000048  }
0xb7: {  	_ =	sfence  }
0xb8: {  	s30 =	sld [smem:$0x0];
	_ =	sdelay $0x2  }
0xb9: {  	s31 =	sshll.u32 s1, $0xD;
	s1 =	sshrl.u32 s1, $0x2  }
0xba: {  	s3 =	sand.u32 $0x4000, s31;
	s1 =	sadd.s32 s1, s30  }
0xbb: {  	s0 =	sor.u32 s3, s0;
	s1 =	sshll.u32 s1, $0x11  }
0xbc: {  	s0 =	sor.u32 s1, s0  }
0xbd: {  	s0 =	sadd.s32 $0x8F2B, s0  }
0xbe: {  	[sflag:s0] =	ssyncadd.remote.s32 $0x1  }
0xbf: {  	_ =	sfence.sel $0xFFFF  }
0xc0: {  	[dreg:$0x0] =	wrdreg $0xFFFFFFFF;
	(pc) =	sbr.abs _section_cstart, $3  }
0xc1: {  	[dreg:$0x1] =	wrdreg $0xFFFFFFFF  }
0xc2: {  	_ =	task.clear_ibuf [dreg:s7], $0x2FFFF;
	_ =	strace $0x9FFFFFFF  }
0xc3: {  	(tm) =	ssettm $0x7FFFFFFF  }
tec
execute0_lowered:
.L_overlay_start_1:
0x0: {  	(tag) =	ssettag $0x1  }
0x1: {  	s0 =	rddreg [dreg:$0x0]  }
0x2: {  	s2 =	rddreg [dreg:$0x1]  }
0x3: {  	s1 =	rddreg [dreg:$0x2];
	s3 =	srdreg.scid  }
0x4: {  	s10 =	stileid.u32;
	s21 =	simm.s32 $0x80;
	s28 =	simm.s32 $0x8800  }
0x5: {  	s29 =	simm.s32 $0x1;
	s30 =	simm.s32 $0x3;
	s31 =	simm.s32 $0x9000  }
0x6: {  	s6 =	sand.u32 $0x1, s3;
	s3 =	simm.s32 $0x0;
	s8 =	smul.u32 $0xC580, s10  }
0x7: {  	s4 =	sadd.s32 $0x400, s0;
	s7 =	smul.u32 $0xC5800, s6;
	[smem:$0x7FF] =	sst s3  }
0x8: {  	s5 =	sshll.u32 s6, $0x4;
	s6 =	ssub.s32 $0x2, s6;
	_ =	strace $0x80000047  }
0x9: {  	s9 =	sor.u32 s10, s5;
	s5 =	sadd.s32 $0xF000, s0;
	s10 =	smul.u32 $0x31600, s10  }
0xa: {  	s17 =	sshrl.u32 s6, $0x1;
	s9 =	smul.u32 $0x500, s9;
	s7 =	sadd.s32 s8, s7  }
0xb: {  	s20 =	sadd.s32 s8, s1;
	s6 =	ssub.s32 s6, s17;
	s7 =	sshrl.u32 s7, $0x3  }
0xc: {  	s18 =	sshrl.u32 s10, $0x2;
	s22 =	smax.u32 s6, $0x1;
	s11 =	sadd.s32 s9, s0  }
0xd: {  	s0 =	sadd.s32 s7, s0;
	s2 =	sadd.s32 s2, s9;
	[dreg:$0x7] =	wrdreg s22  }
0xe: {  	s9 =	sadd.s32 s18, s1;
	[dreg:$0x4] =	wrdreg s2;
	s19 =	sadd.s32 $0x14000, s11  }
0xf: {  	s18 =	simm.s32 $0x1A580;
	s0 =	sadd.s32 $0x1E000, s0;
	[dreg:$0x5] =	wrdreg s19  }
0x10: {  	s22 =	simm.s32 $0x4;
	s23 =	sadd.s32 $0x18B0, s9;
	[dreg:$0x6] =	wrdreg s0  }
0x11: {  	s24 =	sadd.s32 $0x3160, s9;
	s25 =	sadd.s32 $0x4A10, s9;
	[dreg:$0x8] =	wrdreg s23  }
.Ltmp0:
0x12: {  	s26 =	sadd.s32 $0x62C0, s9;
	[dreg:$0x9] =	wrdreg s24;
	(pc) =	sbr.rel .LBB2_1-.Ltmp0, $4  }
0x13: {  	s15 =	sadd.s32 $0x7B70, s9;
	s16 =	sadd.s32 $0x9420, s9;
	[dreg:$0xa] =	wrdreg s25  }
0x14: {  	v1 =	vlaneseq.u32;
	s17 =	sadd.s32 $0xACD0, s9;
	s2 =	simm.s32 $0x6;
	[dreg:$0xb] =	wrdreg s26  }
0x15: {  	v0 =	vimm.f32 $0.0e+00;
	v1 =	vshrl.u32 v1, $0x3;
	s19 =	simm.s32 $0x7;
	s24 =	simm.s32 $0x6800;
	s25 =	sshrl.u32 s20, $0x3  }
0x16: {  	v2 =	vor.u32 $0x2, v1;
	v3 =	vor.u32 $0x4, v1;
	v4 =	vor.u32 $0x6, v1;
	s0 =	simm.s32 $0x2;
	s23 =	simm.s32 $0xB800;
	s26 =	simm.s32 $0x5  }
.LBB2_10:
0x17: {  	_ =	swait.ge [sflag:s26], $0x2800  }
0x18: {  	[sflag:s26] =	ssyncset.done $0x0  }
0x19: {  	[sflag:s26] =	ssyncadd.s32 $0xFFFFD800  }
0x1a: {  	_ =	swait.ge [sflag:s2], $0x2800  }
0x1b: {  	[sflag:s2] =	ssyncset.done $0x0  }
0x1c: {  	s6 =	stileid.u32;
	[sflag:s2] =	ssyncadd.s32 $0xFFFFD800  }
0x1d: {  	s6 =	sshll.u32 s6, $0x6;
	[bflag:$0x0] =	sbarrier.arrive $0xFFFF  }
0x1e: {  	s6 =	sor.u32 $0x1C07, s6;
	s7 =	rddreg [dreg:$0x6]  }
0x1f: {  	[hbm:s7], [sflag:s6] =	dma.local [spmem:s25], $0x18B0  }
0x20: {  	_ =	swait.ge [sflag:s19], $0x18B0  }
0x21: {  	s3 =	sadd.s32 $0x1, s3;
	s20 =	rddreg [dreg:$0x7]  }
0x22: {  	p0 =	sne.s32 s3, s20  }
.Ltmp1:
0x23: {  	_ = 	snop;
	(pc) =	sbr.rel @!p0 .LBB2_11-.Ltmp1, $3  }
0x24: {  	_ =	sdelay $0x1  }
0x25: {  	[sflag:s19] =	ssyncset.done $0x0  }
0x26: {  	[sflag:s19] =	ssyncadd.s32 $0xFFFFE750  }
.LBB2_1:
0x27: {  	s7 =	simm.s32 $0x140;
	s6 =	simm.s32 $0x0  }
.LBB2_2:
0x28: {  	p0 =	sne.s32 s7, $0x6180;
	[tilespmem:s6+$0x1A5C0] =	vst v0;
	s8 =	smov.u32 s7;
	s7 =	sadd.s32 $0x140, s7  }
.Ltmp2:
0x29: {  	[tilespmem:s6+$0x1A5B0] =	vst v0;
	(pc) =	sbr.rel @p0 .LBB2_2-.Ltmp2, $4  }
0x2a: {  	[tilespmem:s6+$0x1A5A0] =	vst v0  }
0x2b: {  	[tilespmem:s6+$0x1A580] =	vst v0  }
0x2c: {  	[tilespmem:s6+$0x1A590] =	vst v0  }
0x2d: {  	s6 =	sshra.s32 s8, $0x2  }
0x2e: {  	[tilespmem:s6+$0x1A5C0] =	vst v0  }
0x2f: {  	[tilespmem:s6+$0x1A5B0] =	vst v0  }
0x30: {  	[tilespmem:s6+$0x1A5A0] =	vst v0  }
0x31: {  	[tilespmem:s6+$0x1A580] =	vst v0  }
0x32: {  	[tilespmem:s6+$0x1A590] =	vst v0  }
0x33: {  	[spmem:s9] =	stream.linear.scatter [tilespmem:s18], [sflag:$0x7], $0x18B0, $0x38;
	[tilespmem:$0x1BE30] =	vst v63  }
0x34: {  	_ =	swait.ge [sflag:s19], $0x18B0  }
0x35: {  	[sflag:s19] =	ssyncset.done $0x0  }
0x36: {  	s7 =	rddreg [dreg:$0x8];
	[sflag:s19] =	ssyncadd.s32 $0xFFFFE750  }
0x37: {  	[spmem:s7] =	stream.linear.scatter [tilespmem:s18], [sflag:$0x7], $0x18B0, $0x38;
	[tilespmem:$0x1BE30] =	vst v63  }
0x38: {  	_ =	swait.ge [sflag:s19], $0x18B0  }
0x39: {  	[sflag:s19] =	ssyncset.done $0x0  }
0x3a: {  	s8 =	rddreg [dreg:$0x9];
	[sflag:s19] =	ssyncadd.s32 $0xFFFFE750  }
0x3b: {  	[spmem:s8] =	stream.linear.scatter [tilespmem:s18], [sflag:$0x7], $0x18B0, $0x38;
	[tilespmem:$0x1BE30] =	vst v63  }
0x3c: {  	_ =	swait.ge [sflag:s19], $0x18B0  }
0x3d: {  	[sflag:s19] =	ssyncset.done $0x0  }
0x3e: {  	s10 =	rddreg [dreg:$0xa];
	[sflag:s19] =	ssyncadd.s32 $0xFFFFE750  }
0x3f: {  	[spmem:s10] =	stream.linear.scatter [tilespmem:s18], [sflag:$0x7], $0x18B0, $0x38;
	[tilespmem:$0x1BE30] =	vst v63  }
0x40: {  	_ =	swait.ge [sflag:s19], $0x18B0  }
0x41: {  	[sflag:s19] =	ssyncset.done $0x0  }
0x42: {  	s11 =	rddreg [dreg:$0xb];
	[sflag:s19] =	ssyncadd.s32 $0xFFFFE750  }
0x43: {  	[spmem:s11] =	stream.linear.scatter [tilespmem:s18], [sflag:$0x7], $0x18B0, $0x38;
	[tilespmem:$0x1BE30] =	vst v63  }
0x44: {  	_ =	swait.ge [sflag:s19], $0x18B0  }
0x45: {  	[sflag:s19] =	ssyncset.done $0x0  }
0x46: {  	[sflag:s19] =	ssyncadd.s32 $0xFFFFE750  }
0x47: {  	[spmem:s15] =	stream.linear.scatter [tilespmem:s18], [sflag:$0x7], $0x18B0, $0x38;
	[tilespmem:$0x1BE30] =	vst v63  }
0x48: {  	_ =	swait.ge [sflag:s19], $0x18B0  }
0x49: {  	[sflag:s19] =	ssyncset.done $0x0  }
0x4a: {  	[sflag:s19] =	ssyncadd.s32 $0xFFFFE750  }
0x4b: {  	[spmem:s16] =	stream.linear.scatter [tilespmem:s18], [sflag:$0x7], $0x18B0, $0x38;
	[tilespmem:$0x1BE30] =	vst v63  }
0x4c: {  	_ =	swait.ge [sflag:s19], $0x18B0  }
0x4d: {  	[sflag:s19] =	ssyncset.done $0x0  }
0x4e: {  	[sflag:s19] =	ssyncadd.s32 $0xFFFFE750  }
0x4f: {  	[spmem:s17] =	stream.linear.scatter [tilespmem:s18], [sflag:$0x7], $0x18B0, $0x38;
	[tilespmem:$0x1BE30] =	vst v63  }
0x50: {  	_ =	swait.ge [sflag:s19], $0x18B0  }
0x51: {  	[sflag:s19] =	ssyncset.done $0x0  }
0x52: {  	[sflag:s19] =	ssyncadd.s32 $0xFFFFE750  }
0x53: {  	[bflag:$0x0] =	sbarrier.arrive $0xFFFF  }
0x54: {  	s6 =	simm.s32 $0x0;
	s7 =	rddreg [dreg:$0x4]  }
0x55: {  	[tilespmem:s6], [sflag:$0x7] =	stream.linear.gather [hbm4b:s7+s6], $0x2800, $0x38;
	[tilespmem:$0x1BE30] =	vst v63  }
0x56: {  	_ =	swait.ge [sflag:s19], $0x2800  }
0x57: {  	[sflag:s19] =	ssyncset.done $0x0  }
0x58: {  	s8 =	simm.s32 $0x2800;
	s12 =	rddreg [dreg:$0x5];
	[sflag:s19] =	ssyncadd.s32 $0xFFFFD800  }
0x59: {  	[tilespmem:s8], [sflag:$0x7] =	stream.linear.gather [hbm4b:s12+s6], $0x2800, $0x38;
	[tilespmem:$0x1BE30] =	vst v63  }
0x5a: {  	_ =	swait.ge [sflag:s19], $0x2800  }
0x5b: {  	[sflag:s19] =	ssyncset.done $0x0  }
0x5c: {  	s13 =	simm.s32 $0x5000;
	[sflag:s19] =	ssyncadd.s32 $0xFFFFD800  }
0x5d: {  	[tilespmem:s13], [sflag:$0x1] =	stream.indirect.gather [hbm4b:s4+s21], $0x30, s6, s21, $0xb8;
	[tilespmem:$0x1BE30] =	vst v63  }
0x5e: {  	s14 =	simm.s32 $0x8000  }
0x5f: {  	[tilespmem:s14], [sflag:$0x3] =	stream.indirect.gather [hbm4b:s5+s21], $0x10, s8, s21, $0xb8;
	[tilespmem:$0x1BE30] =	vst v63  }
0x60: {  	_ = 	snop  }
0x61: {  	[tilespmem:s24], [sflag:$0x2] =	stream.indirect.gather [hbm4b:s4+s21], $0x30, s21, s21, $0xb8;
	[tilespmem:$0x1BE30] =	vst v63  }
0x62: {  	s20 =	simm.s32 $0x2880;
	s7 =	simm.s32 $0x0  }
0x63: {  	[tilespmem:s28], [sflag:$0x4] =	stream.indirect.gather [hbm4b:s5+s21], $0x10, s20, s21, $0xb8;
	[tilespmem:$0x1BE30] =	vst v63  }
.LBB2_4:
0x64: {  	_ =	swait.ge [sflag:s29], $0x1800  }
0x65: {  	[sflag:s29] =	ssyncset.done $0x0  }
0x66: {  	[sflag:s29] =	ssyncadd.s32 $0xFFFFE800  }
0x67: {  	_ =	swait.ge [sflag:s30], $0x800  }
0x68: {  	p0 =	seq.s32 s7, $0x0;
	[sflag:s30] =	ssyncset.done $0x0  }
0x69: {  	s8 =	simm.s32 @!p0 $0x5;
	[sflag:s30] =	ssyncadd.s32 $0xFFFFF800  }
0x6a: {  	_ =	swait.ge @!p0 [sflag:s8], $0x2800  }
0x6b: {  	[sflag:s8] =	ssyncset.done @!p0 $0x0  }
0x6c: {  	s20 =	simm.s32 $0x5010;
	[sflag:s8] =	ssyncadd.s32 @!p0 $0xFFFFD800  }
0x6d: {  	s10 =	simm.s32 $0x8000;
	v5 =	vld [tilespmem:s20+$0x10]  }
0x6e: {  	v6 =	vld [tilespmem:s10+$0x0];
	_ =	sdelay $0x3  }
0x6f: {  	v5 =	vunpack.i.l.bf16.f32 v5  }
0x70: {  	v5 =	vadd.f32 v5, v6;
	_ =	sdelay $0x1  }
0x71: {  	v6 =	vmul.f32 $2.000000030e-01, v5  }
0x72: {  	vm0 =	vge.f32 v5, $0.0e+00  }
0x73: {  	v5 =	vsel vm0, v5, v6  }
0x74: {  	v5 =	vmul.f32 $1.442695020e+00, v5;
	_ =	sdelay $0x1  }
0x75: {  	(erf) = vpow2.f32 v5  }
0x76: {  	v5 =	vmov s6  }
0x77: {  	v5 =	vmul.u32 $0x50, v5;
	_ =	sdelay $0x1  }
0x78: {  	v5 =	vadd.s32 $0x40, v5  }
0x79: {  	v5 =	vbroadcast v5, $0x0;
	_ =	sdelay $0x1  }
0x7a: {  	v6 =	vor.u32 v1, v5;
	_ =	sdelay $0x1  }
0x7b: {  	s10 =	simm.s32 $0x9020;
	v7 =	vpop (erf)  }
0x7c: {  	[tilespmem:s10+$0x20] =	vst v7  }
0x7d: {  	v7 =	vld [tilespmem:s20+$0xFFFFFFF0]  }
0x7e: {  	v6 =	vld.idx.msk [tilespmem:v6+s31+$0x0], $0xffff;
	_ =	sdelay $0x2  }
0x7f: {  	v8 =	vor.u32 v2, v5  }
0x80: {  	v9 =	vunpack.i.l.bf16.f32 v7  }
0x81: {  	v6 =	vmul.f32 v6, v9;
	_ =	sdelay $0x1  }
0x82: {  	v63 =	vld [tilespmem:s20+$0x0];
	[tilespmem:s10+$0xFFFFFFE0] =	vst v6  }
0x83: {  	v6 =	vld.idx.msk [tilespmem:v8+s31+$0x0], $0xffff;
	_ =	sdelay $0x2  }
0x84: {  	v8 =	vor.u32 v3, v5  }
0x85: {  	v7 =	vunpack.i.u.bf16.f32 v7  }
0x86: {  	v6 =	vmul.f32 v6, v7;
	_ =	sdelay $0x1  }
0x87: {  	[tilespmem:s10+$0xFFFFFFF0] =	vst v6  }
0x88: {  	v6 =	vld.idx.msk [tilespmem:v8+s31+$0x0], $0xffff;
	_ =	sdelay $0x2  }
0x89: {  	v5 =	vor.u32 v4, v5  }
0x8a: {  	v7 =	vunpack.i.l.bf16.f32 v63  }
0x8b: {  	v6 =	vmul.f32 v6, v7;
	_ =	sdelay $0x1  }
0x8c: {  	[tilespmem:s10+$0x0] =	vst v6  }
0x8d: {  	v5 =	vld.idx.msk [tilespmem:v5+s31+$0x0], $0xffff;
	_ =	sdelay $0x3  }
0x8e: {  	v6 =	vunpack.i.u.bf16.f32 v63  }
0x8f: {  	v5 =	vmul.f32 v5, v6;
	_ =	sdelay $0x1  }
0x90: {  	s11 =	simm.s32 $0x5040;
	[tilespmem:s10+$0x10] =	vst v5  }
0x91: {  	s12 =	simm.s32 $0x8010;
	v5 =	vld [tilespmem:s11+$0x10]  }
0x92: {  	s13 =	simm.s32 $0x2;
	s8 =	sshll.u32 s7, $0x8;
	s20 =	simm.s32 $0x1;
	v6 =	vld [tilespmem:s12+$0x0]  }
.LBB2_5:
0x93: {  	p1 =	sne.s32 s13, $0x7F;
	_ =	sdelay $0x2  }
0x94: {  	v5 =	vunpack.i.l.bf16.f32 v5  }
0x95: {  	v5 =	vadd.f32 v5, v6;
	_ =	sdelay $0x1  }
0x96: {  	v6 =	vmul.f32 $2.000000030e-01, v5  }
0x97: {  	vm0 =	vge.f32 v5, $0.0e+00  }
0x98: {  	v5 =	vsel vm0, v5, v6  }
0x99: {  	v5 =	vmul.f32 $1.442695020e+00, v5;
	_ =	sdelay $0x1  }
0x9a: {  	(erf) = vpow2.f32 v5  }
0x9b: {  	v5 =	vmov s20;
	s20 =	smov.u32 s13  }
0x9c: {  	v5 =	vmul.u32 $0x50, v5;
	_ =	sdelay $0x1  }
0x9d: {  	v5 =	vadd.s32 $0x40, v5  }
0x9e: {  	v5 =	vbroadcast v5, $0x0;
	_ =	sdelay $0x1  }
0x9f: {  	v6 =	vor.u32 v1, v5;
	_ =	sdelay $0x1  }
0xa0: {  	s10 =	sadd.s32 $0x50, s10;
	v7 =	vpop (erf)  }
0xa1: {  	[tilespmem:s10+$0x20] =	vst v7  }
0xa2: {  	v7 =	vld [tilespmem:s11+$0xFFFFFFF0]  }
0xa3: {  	v6 =	vld.idx.msk [tilespmem:v6+s31+$0x0], $0xffff;
	_ =	sdelay $0x3  }
0xa4: {  	v8 =	vor.u32 v2, v5  }
0xa5: {  	v9 =	vunpack.i.l.bf16.f32 v7  }
0xa6: {  	v6 =	vmul.f32 v6, v9;
	_ =	sdelay $0x1  }
0xa7: {  	v9 =	vld [tilespmem:s11+$0x0];
	[tilespmem:s10+$0xFFFFFFE0] =	vst v6  }
0xa8: {  	v6 =	vld.idx.msk [tilespmem:v8+s31+$0x0], $0xffff;
	_ =	sdelay $0x3  }
0xa9: {  	v10 =	vor.u32 v3, v5;
	v8 =	vunpack.i.u.bf16.f32 v9  }
0xaa: {  	v7 =	vunpack.i.u.bf16.f32 v7  }
0xab: {  	v6 =	vmul.f32 v6, v7;
	_ =	sdelay $0x1  }
0xac: {  	[tilespmem:s10+$0xFFFFFFF0] =	vst v6  }
0xad: {  	v6 =	vld.idx.msk [tilespmem:v10+s31+$0x0], $0xffff;
	_ =	sdelay $0x3  }
0xae: {  	v5 =	vor.u32 v4, v5  }
0xaf: {  	v7 =	vunpack.i.l.bf16.f32 v9  }
0xb0: {  	v6 =	vmul.f32 v6, v7;
	_ =	sdelay $0x1  }
0xb1: {  	[tilespmem:s10+$0x0] =	vst v6  }
0xb2: {  	v5 =	vld.idx.msk [tilespmem:v5+s31+$0x0], $0xffff;
	_ =	sdelay $0x5  }
.Ltmp3:
0xb3: {  	v5 =	vmul.f32 v5, v8;
	(pc) =	sbr.rel @p1 .LBB2_5-.Ltmp3, $4  }
0xb4: {  	_ = 	snop  }
0xb5: {  	s11 =	sadd.s32 $0x30, s11;
	[tilespmem:s10+$0x10] =	vst v5  }
0xb6: {  	s12 =	sadd.s32 $0x10, s12;
	v5 =	vld [tilespmem:s11+$0x10]  }
0xb7: {  	s13 =	sadd.s32 $0x1, s13;
	v6 =	vld [tilespmem:s12+$0x0]  }
0xb8: {  	_ =	sdelay $0x2  }
0xb9: {  	v5 =	vunpack.i.l.bf16.f32 v5  }
0xba: {  	v5 =	vadd.f32 v5, v6;
	_ =	sdelay $0x1  }
0xbb: {  	v6 =	vmul.f32 $2.000000030e-01, v5  }
0xbc: {  	vm0 =	vge.f32 v5, $0.0e+00  }
0xbd: {  	v5 =	vsel vm0, v5, v6  }
0xbe: {  	v5 =	vmul.f32 $1.442695020e+00, v5;
	_ =	sdelay $0x1  }
0xbf: {  	(erf) = vpow2.f32 v5  }
0xc0: {  	v5 =	vmov s20  }
0xc1: {  	v5 =	vmul.u32 $0x50, v5;
	_ =	sdelay $0x1  }
0xc2: {  	v5 =	vadd.s32 $0x40, v5  }
0xc3: {  	v5 =	vbroadcast v5, $0x0;
	_ =	sdelay $0x1  }
0xc4: {  	v6 =	vor.u32 v1, v5;
	_ =	sdelay $0x1  }
0xc5: {  	s12 =	sadd.s32 $0x50, s10;
	v7 =	vpop (erf)  }
0xc6: {  	[tilespmem:s12+$0x20] =	vst v7  }
0xc7: {  	v7 =	vld [tilespmem:s11+$0xFFFFFFF0]  }
0xc8: {  	v6 =	vld.idx.msk [tilespmem:v6+s31+$0x0], $0xffff;
	_ =	sdelay $0x2  }
0xc9: {  	v8 =	vor.u32 v2, v5  }
0xca: {  	v9 =	vunpack.i.l.bf16.f32 v7  }
0xcb: {  	v6 =	vmul.f32 v6, v9;
	_ =	sdelay $0x1  }
0xcc: {  	v61 =	vld [tilespmem:s11+$0x0];
	[tilespmem:s12+$0xFFFFFFE0] =	vst v6  }
0xcd: {  	v6 =	vld.idx.msk [tilespmem:v8+s31+$0x0], $0xffff;
	_ =	sdelay $0x2  }
0xce: {  	v8 =	vor.u32 v3, v5  }
0xcf: {  	v7 =	vunpack.i.u.bf16.f32 v7  }
0xd0: {  	v6 =	vmul.f32 v6, v7;
	_ =	sdelay $0x1  }
0xd1: {  	[tilespmem:s12+$0xFFFFFFF0] =	vst v6  }
0xd2: {  	v6 =	vld.idx.msk [tilespmem:v8+s31+$0x0], $0xffff;
	_ =	sdelay $0x2  }
0xd3: {  	v5 =	vor.u32 v4, v5  }
0xd4: {  	v7 =	vunpack.i.l.bf16.f32 v61  }
0xd5: {  	v6 =	vmul.f32 v6, v7;
	_ =	sdelay $0x1  }
0xd6: {  	[tilespmem:s12+$0x0] =	vst v6  }
0xd7: {  	v5 =	vld.idx.msk [tilespmem:v5+s31+$0x0], $0xffff;
	_ =	sdelay $0x3  }
0xd8: {  	v6 =	vunpack.i.u.bf16.f32 v61  }
0xd9: {  	v5 =	vmul.f32 v5, v6  }
0xda: {  	s10 =	sand.u32 $0x3FFFFF00, s8  }
0xdb: {  	p1 =	seq.s32 s7, $0x27;
	[tilespmem:s12+$0x10] =	vst v5;
	s12 =	sadd.s32 $0x2800, s10  }
0xdc: {  	[spmem:s1] =	stream.indirect.scatter.add.f32 [tilespmem:s31], [sflag:$0x5], $0x50, s12, s21, $0xb8;
	[tilespmem:$0x1BE30] =	vst v63  }
0xdd: {  	s13 =	simm.s32 @!p1 $0x5000;
	s11 =	sadd.s32 @!p1 $0x100, s8;
	s12 =	simm.s32 @!p1 $0x80  }
0xde: {  	[tilespmem:s13], [sflag:$0x1] =	stream.indirect.gather @!p1 [hbm4b:s4+s12], $0x30, s11, s12, $0xb8;
	[tilespmem:$0x1BE30] =	vst v63  }
0xdf: {  	s11 =	sadd.s32 @!p1 $0x2900, s8;
	s13 =	simm.s32 @!p1 $0x8000  }
0xe0: {  	[tilespmem:s13], [sflag:$0x3] =	stream.indirect.gather @!p1 [hbm4b:s5+s12], $0x10, s11, s12, $0xb8;
	[tilespmem:$0x1BE30] =	vst v63  }
0xe1: {  	_ =	swait.ge [sflag:s0], $0x1800  }
0xe2: {  	[sflag:s0] =	ssyncset.done $0x0  }
0xe3: {  	[sflag:s0] =	ssyncadd.s32 $0xFFFFE800  }
0xe4: {  	_ =	swait.ge [sflag:s22], $0x800  }
0xe5: {  	[sflag:s22] =	ssyncset.done $0x0  }
0xe6: {  	s11 =	simm.s32 @!p0 $0x6;
	[sflag:s22] =	ssyncadd.s32 $0xFFFFF800  }
0xe7: {  	_ =	swait.ge @!p0 [sflag:s11], $0x2800  }
0xe8: {  	[sflag:s11] =	ssyncset.done @!p0 $0x0  }
0xe9: {  	s13 =	simm.s32 $0x6810;
	[sflag:s11] =	ssyncadd.s32 @!p0 $0xFFFFD800  }
0xea: {  	s14 =	simm.s32 $0x8800;
	v5 =	vld [tilespmem:s13+$0x10]  }
0xeb: {  	v6 =	vld [tilespmem:s14+$0x0];
	_ =	sdelay $0x3  }
0xec: {  	v5 =	vunpack.i.l.bf16.f32 v5  }
0xed: {  	v5 =	vadd.f32 v5, v6;
	_ =	sdelay $0x1  }
0xee: {  	v6 =	vmul.f32 $2.000000030e-01, v5  }
0xef: {  	vm15 =	vge.f32 v5, $0.0e+00  }
0xf0: {  	v5 =	vsel vm15, v5, v6  }
0xf1: {  	v5 =	vmul.f32 $1.442695020e+00, v5;
	_ =	sdelay $0x1  }
0xf2: {  	s20 =	simm.s32 $0x0;
	(erf) = vpow2.f32 v5  }
0xf3: {  	v5 =	vmov s20  }
0xf4: {  	v5 =	vmul.u32 $0x50, v5;
	_ =	sdelay $0x1  }
0xf5: {  	v5 =	vadd.s32 $0x40, v5  }
0xf6: {  	v5 =	vbroadcast v5, $0x0;
	_ =	sdelay $0x1  }
0xf7: {  	v6 =	vor.u32 v1, v5;
	_ =	sdelay $0x1  }
0xf8: {  	s11 =	simm.s32 $0xB820;
	v7 =	vpop (erf)  }
0xf9: {  	[tilespmem:s11+$0x20] =	vst v7  }
0xfa: {  	v7 =	vld [tilespmem:s13+$0xFFFFFFF0]  }
0xfb: {  	v6 =	vld.idx.msk [tilespmem:v6+s23+$0x0], $0xffff;
	_ =	sdelay $0x2  }
0xfc: {  	v8 =	vor.u32 v2, v5  }
0xfd: {  	v62 =	vunpack.i.l.bf16.f32 v7  }
0xfe: {  	v6 =	vmul.f32 v6, v62;
	_ =	sdelay $0x1  }
0xff: {  	v63 =	vld [tilespmem:s13+$0x0];
	[tilespmem:s11+$0xFFFFFFE0] =	vst v6  }
0x100: {  	v6 =	vld.idx.msk [tilespmem:v8+s23+$0x0], $0xffff;
	_ =	sdelay $0x2  }
0x101: {  	v8 =	vor.u32 v3, v5  }
0x102: {  	v7 =	vunpack.i.u.bf16.f32 v7  }
0x103: {  	v6 =	vmul.f32 v6, v7;
	_ =	sdelay $0x1  }
0x104: {  	[tilespmem:s11+$0xFFFFFFF0] =	vst v6  }
0x105: {  	v6 =	vld.idx.msk [tilespmem:v8+s23+$0x0], $0xffff;
	_ =	sdelay $0x2  }
0x106: {  	v5 =	vor.u32 v4, v5  }
0x107: {  	v7 =	vunpack.i.l.bf16.f32 v63  }
0x108: {  	v6 =	vmul.f32 v6, v7;
	_ =	sdelay $0x1  }
0x109: {  	[tilespmem:s11+$0x0] =	vst v6  }
0x10a: {  	v5 =	vld.idx.msk [tilespmem:v5+s23+$0x0], $0xffff;
	_ =	sdelay $0x3  }
0x10b: {  	v6 =	vunpack.i.u.bf16.f32 v63  }
0x10c: {  	v5 =	vmul.f32 v5, v6;
	_ =	sdelay $0x1  }
0x10d: {  	s20 =	simm.s32 $0x6840;
	[tilespmem:s11+$0x10] =	vst v5  }
0x10e: {  	s13 =	simm.s32 $0x8810;
	v5 =	vld [tilespmem:s20+$0x10]  }
0x10f: {  	s12 =	simm.s32 $0x1;
	s14 =	simm.s32 $0x2;
	v6 =	vld [tilespmem:s13+$0x0]  }
.LBB2_7:
0x110: {  	p0 =	sne.s32 s14, $0x7F;
	_ =	sdelay $0x2  }
0x111: {  	v5 =	vunpack.i.l.bf16.f32 v5  }
0x112: {  	v5 =	vadd.f32 v5, v6;
	_ =	sdelay $0x1  }
0x113: {  	v6 =	vmul.f32 $2.000000030e-01, v5  }
0x114: {  	vm0 =	vge.f32 v5, $0.0e+00  }
0x115: {  	v5 =	vsel vm0, v5, v6  }
0x116: {  	v5 =	vmul.f32 $1.442695020e+00, v5;
	_ =	sdelay $0x1  }
0x117: {  	(erf) = vpow2.f32 v5  }
0x118: {  	v5 =	vmov s12;
	s12 =	smov.u32 s14  }
0x119: {  	v5 =	vmul.u32 $0x50, v5;
	_ =	sdelay $0x1  }
0x11a: {  	v5 =	vadd.s32 $0x40, v5  }
0x11b: {  	v5 =	vbroadcast v5, $0x0;
	_ =	sdelay $0x1  }
0x11c: {  	v6 =	vor.u32 v1, v5;
	_ =	sdelay $0x1  }
0x11d: {  	s11 =	sadd.s32 $0x50, s11;
	v7 =	vpop (erf)  }
0x11e: {  	[tilespmem:s11+$0x20] =	vst v7  }
0x11f: {  	v7 =	vld [tilespmem:s20+$0xFFFFFFF0]  }
0x120: {  	v6 =	vld.idx.msk [tilespmem:v6+s23+$0x0], $0xffff;
	_ =	sdelay $0x3  }
0x121: {  	v8 =	vor.u32 v2, v5  }
0x122: {  	v9 =	vunpack.i.l.bf16.f32 v7  }
0x123: {  	v6 =	vmul.f32 v6, v9;
	_ =	sdelay $0x1  }
0x124: {  	v9 =	vld [tilespmem:s20+$0x0];
	[tilespmem:s11+$0xFFFFFFE0] =	vst v6  }
0x125: {  	v6 =	vld.idx.msk [tilespmem:v8+s23+$0x0], $0xffff;
	_ =	sdelay $0x3  }
0x126: {  	v10 =	vor.u32 v3, v5;
	v8 =	vunpack.i.u.bf16.f32 v9  }
0x127: {  	v7 =	vunpack.i.u.bf16.f32 v7  }
0x128: {  	v6 =	vmul.f32 v6, v7;
	_ =	sdelay $0x1  }
0x129: {  	[tilespmem:s11+$0xFFFFFFF0] =	vst v6  }
0x12a: {  	v6 =	vld.idx.msk [tilespmem:v10+s23+$0x0], $0xffff;
	_ =	sdelay $0x3  }
0x12b: {  	v5 =	vor.u32 v4, v5  }
0x12c: {  	v7 =	vunpack.i.l.bf16.f32 v9  }
0x12d: {  	v6 =	vmul.f32 v6, v7;
	_ =	sdelay $0x1  }
0x12e: {  	[tilespmem:s11+$0x0] =	vst v6  }
0x12f: {  	v5 =	vld.idx.msk [tilespmem:v5+s23+$0x0], $0xffff;
	_ =	sdelay $0x5  }
.Ltmp4:
0x130: {  	v5 =	vmul.f32 v5, v8;
	(pc) =	sbr.rel @p0 .LBB2_7-.Ltmp4, $4  }
0x131: {  	_ = 	snop  }
0x132: {  	s20 =	sadd.s32 $0x30, s20;
	[tilespmem:s11+$0x10] =	vst v5  }
0x133: {  	s13 =	sadd.s32 $0x10, s13;
	v5 =	vld [tilespmem:s20+$0x10]  }
0x134: {  	s14 =	sadd.s32 $0x1, s14;
	v6 =	vld [tilespmem:s13+$0x0]  }
0x135: {  	_ =	sdelay $0x2  }
0x136: {  	v5 =	vunpack.i.l.bf16.f32 v5  }
0x137: {  	v5 =	vadd.f32 v5, v6;
	_ =	sdelay $0x1  }
0x138: {  	v6 =	vmul.f32 $2.000000030e-01, v5  }
0x139: {  	vm0 =	vge.f32 v5, $0.0e+00  }
0x13a: {  	v5 =	vsel vm0, v5, v6  }
0x13b: {  	v5 =	vmul.f32 $1.442695020e+00, v5;
	_ =	sdelay $0x1  }
0x13c: {  	(erf) = vpow2.f32 v5  }
0x13d: {  	v5 =	vmov s12  }
0x13e: {  	v5 =	vmul.u32 $0x50, v5;
	_ =	sdelay $0x1  }
0x13f: {  	v5 =	vadd.s32 $0x40, v5  }
0x140: {  	v5 =	vbroadcast v5, $0x0;
	_ =	sdelay $0x1  }
0x141: {  	v6 =	vor.u32 v1, v5;
	_ =	sdelay $0x1  }
0x142: {  	s11 =	sadd.s32 $0x50, s11;
	v7 =	vpop (erf)  }
0x143: {  	[tilespmem:s11+$0x20] =	vst v7  }
0x144: {  	v7 =	vld [tilespmem:s20+$0xFFFFFFF0]  }
0x145: {  	v6 =	vld.idx.msk [tilespmem:v6+s23+$0x0], $0xffff;
	_ =	sdelay $0x2  }
0x146: {  	v8 =	vor.u32 v2, v5  }
0x147: {  	v9 =	vunpack.i.l.bf16.f32 v7  }
0x148: {  	v6 =	vmul.f32 v6, v9;
	_ =	sdelay $0x1  }
0x149: {  	v62 =	vld [tilespmem:s20+$0x0];
	[tilespmem:s11+$0xFFFFFFE0] =	vst v6  }
0x14a: {  	v6 =	vld.idx.msk [tilespmem:v8+s23+$0x0], $0xffff;
	_ =	sdelay $0x2  }
0x14b: {  	v63 =	vor.u32 v3, v5  }
0x14c: {  	v7 =	vunpack.i.u.bf16.f32 v7  }
0x14d: {  	v6 =	vmul.f32 v6, v7;
	_ =	sdelay $0x1  }
0x14e: {  	[tilespmem:s11+$0xFFFFFFF0] =	vst v6  }
0x14f: {  	v6 =	vld.idx.msk [tilespmem:v63+s23+$0x0], $0xffff;
	_ =	sdelay $0x2  }
0x150: {  	v5 =	vor.u32 v4, v5  }
0x151: {  	v7 =	vunpack.i.l.bf16.f32 v62  }
0x152: {  	v6 =	vmul.f32 v6, v7;
	_ =	sdelay $0x1  }
0x153: {  	[tilespmem:s11+$0x0] =	vst v6  }
0x154: {  	v5 =	vld.idx.msk [tilespmem:v5+s23+$0x0], $0xffff;
	_ =	sdelay $0x3  }
.Ltmp5:
0x155: {  	v6 =	vunpack.i.u.bf16.f32 v62;
	(pc) =	sbr.rel @p1 .LBB2_10-.Ltmp5, $3  }
0x156: {  	v5 =	vmul.f32 v5, v6;
	_ =	sdelay $0x1  }
0x157: {  	s10 =	sadd.s32 $0x2880, s10;
	[tilespmem:s11+$0x10] =	vst v5  }
0x158: {  	[spmem:s1] =	stream.indirect.scatter.add.f32 [tilespmem:s23], [sflag:$0x6], $0x50, s10, s21, $0xb8;
	[tilespmem:$0x1BE30] =	vst v63  }
.Ltmp6:
0x159: {  	(pc) =	sbr.rel .LBB2_4-.Ltmp6, $4  }
0x15a: {  	s10 =	sadd.s32 $0x180, s8  }
0x15b: {  	[tilespmem:s24], [sflag:$0x2] =	stream.indirect.gather [hbm4b:s4+s21], $0x30, s10, s21, $0xb8;
	[tilespmem:$0x1BE30] =	vst v63  }
0x15c: {  	s20 =	sadd.s32 $0x2980, s8;
	s7 =	sadd.s32 $0x1, s7  }
0x15d: {  	[tilespmem:s28], [sflag:$0x4] =	stream.indirect.gather [hbm4b:s5+s21], $0x10, s20, s21, $0xb8;
	[tilespmem:$0x1BE30] =	vst v63  }
.LBB2_11:
0x15e: {  	_ =	sfence.sel $0x180000  }
0x15f: {  	[bflag:$0x0] =	sbarrier.arrive $0xFFFF  }
0x160: {  	_ =	strace $0x90000047  }
0x161: {  	s0 =	stileid.u32;
	[bflag:$0x2] =	sbarrier.arrive $0xFFFF  }
0x162: {  	p0 =	sne.s32 s0, $0x0;
	s0 =	rddreg [dreg:$0x3]  }
0x163: {  	s0 =	sadd.s32 @!p0 $0x100000, s0  }
0x164: {  	[sflag:s0] =	ssyncadd.tile.s32 @!p0 $0x1;
	_ =	shalt  }
.Lfunc_end2:
_tile_overlayer_lowered:
.L_overlay_start_2:
0x165: {  	(tag) =	ssettag $0x2  }
0x166: {  	s0 =	rddreg [dreg:$0x0];
	s2 =	stileid.u32  }
0x167: {  	s1 =	rddreg [dreg:$0x1];
	p0 =	sne.s32 s2, $0x0  }
0x168: {  	s3 =	rddreg [dreg:$0x2];
	[bflag:$0x3] =	sbarrier.arrive $0xFFFF;
	s2 =	simm.s32 @!p0 $0x1C07  }
0x169: {  	[timem:s3], [sflag:s2] =	dma.local @!p0 [hbm:s0], s1  }
0x16a: {  	s0 =	simm.s32 @!p0 $0x7  }
0x16b: {  	_ =	swait.ge @!p0 [sflag:s0], s1  }
0x16c: {  	s1 =	ssub.s32 @!p0 $0x0, s1;
	[sflag:s0] =	ssyncset.done @!p0 $0x0  }
0x16d: {  	[sflag:s0] =	ssyncadd.s32 @!p0 s1  }
0x16e: {  	[bflag:$0x3] =	sbarrier.arrive $0xFFFF  }
0x16f: {  	_ =	shalt  }

</sc_bundles>
